<compile_context>
chip_gen: v7x
topology: tpu7x:2x2x1
jax: 0.10.2.dev20260603
libtpu: 0.0.44.dev20260713+nightly
codegen_flags: <defaults>
</compile_context>

<pallas_src>
import functools

import jax
import jax.numpy as jnp
from jax import lax
from jax.experimental import pallas as pl
from jax.experimental.pallas import tpu as pltpu
from jax.experimental.pallas import tpu_sc as plsc

N = 10000
E = 320000
D = 128

NC = 2
NS = 16
NW = NC * NS
L = 16

NCH = E // 128
CB = 20
IBLK = 4
CPW = IBLK * CB
EB = CB * 128
NPAD = 10112
RPT = NPAD // NS

_mesh = plsc.VectorSubcoreMesh(core_axis_name="c", subcore_axis_name="s")
_sc_params = pltpu.CompilerParams(needs_layout_passes=False)


@functools.partial(
    pl.kernel,
    mesh=_mesh,
    out_type=jax.ShapeDtypeStruct((NW, NPAD), jnp.float32),
    compiler_params=_sc_params,
    scratch_types=[
        pltpu.VMEM((EB,), jnp.int32),
        pltpu.VMEM((NPAD,), jnp.float32),
    ],
)
def _deg_kernel(ef_hbm, out_hbm, d_v, hist_v):
    cid = lax.axis_index("c")
    sid = lax.axis_index("s")
    wid = sid * NC + cid
    zeros16 = jnp.zeros((L,), jnp.float32)
    ones16 = jnp.ones((L,), jnp.float32)

    def zbody(i, c):
        hist_v[pl.ds(i * L, L)] = zeros16
        return c

    lax.fori_loop(0, NPAD // L, zbody, 0)
    ebase = E + wid * CPW * 128
    nblk = jnp.where(wid == NW - 1, 1, IBLK)

    def block(bk, c):
        pltpu.sync_copy(ef_hbm.at[pl.ds(ebase + bk * EB, EB)], d_v)

        def body(i, c2):
            d = d_v[pl.ds(i * L, L)]
            plsc.addupdate_scatter(hist_v, [d], ones16)
            return c2

        lax.fori_loop(0, EB // L, body, 0)
        return c

    lax.fori_loop(0, nblk, block, 0)
    pltpu.sync_copy(hist_v, out_hbm.at[wid])


@functools.partial(
    pl.kernel,
    mesh=_mesh,
    out_type=jax.ShapeDtypeStruct((NC, NPAD, D), jnp.float32),
    compiler_params=_sc_params,
    scratch_types=[
        pltpu.VMEM((EB,), jnp.int32),
        pltpu.VMEM((EB,), jnp.int32),
        pltpu.VMEM((2, 128, D), jnp.float32),
        pltpu.VMEM_SHARED((NPAD, D), jnp.float32),
        pltpu.SemaphoreType.DMA,
        pltpu.SemaphoreType.DMA,
    ],
)
def _scatter_kernel(p_hbm, ef_hbm, out_hbm,
                    si_v, di_v, rows_v, s_sh, sem_a, sem_b):
    cid = lax.axis_index("c")
    sid = lax.axis_index("s")
    wid = sid * NC + cid

    zeros16 = jnp.zeros((L,), jnp.float32)
    zbuf = rows_v.at[0]

    def zb(i, c):
        zbuf[i // 8, pl.ds((i % 8) * L, L)] = zeros16
        return c

    lax.fori_loop(0, 128 * (D // L), zb, 0)
    r0 = sid * RPT
    for k in range(RPT // 128):
        pltpu.sync_copy(zbuf, s_sh.at[pl.ds(r0 + k * 128, 128)])
    rem = RPT % 128
    if rem:
        pltpu.sync_copy(zbuf.at[pl.ds(0, rem)],
                        s_sh.at[pl.ds(r0 + (RPT // 128) * 128, rem)])
    plsc.subcore_barrier()

    buf_a, buf_b = rows_v.at[0], rows_v.at[1]

    def start(j, buf, sem):
        pltpu.async_copy(p_hbm.at[si_v.at[pl.ds(j * 128, 128)]], buf, sem)

    def drain(buf, sem):
        pltpu.make_async_copy(p_hbm.at[pl.ds(0, 128)], buf, sem).wait()

    def scat(j, buf):
        pltpu.sync_copy(buf, s_sh.at[di_v.at[pl.ds(j * 128, 128)]], add=True)

    ebase = wid * CPW * 128
    nblk = jnp.where(wid == NW - 1, 1, IBLK)

    def block(b, c):
        pltpu.sync_copy(ef_hbm.at[pl.ds(ebase + b * EB, EB)], si_v)
        pltpu.sync_copy(ef_hbm.at[pl.ds(E + ebase + b * EB, EB)], di_v)
        start(0, buf_a, sem_a)

        def body(t, c2):
            start(2 * t + 1, buf_b, sem_b)
            drain(buf_a, sem_a)
            scat(2 * t, buf_a)
            start(2 * t + 2, buf_a, sem_a)
            drain(buf_b, sem_b)
            scat(2 * t + 1, buf_b)
            return c2

        lax.fori_loop(0, CB // 2 - 1, body, 0)
        start(CB - 1, buf_b, sem_b)
        drain(buf_a, sem_a)
        scat(CB - 2, buf_a)
        drain(buf_b, sem_b)
        scat(CB - 1, buf_b)
        return c

    lax.fori_loop(0, nblk, block, 0)
    plsc.subcore_barrier()
    pltpu.sync_copy(s_sh.at[pl.ds(r0, RPT)], out_hbm.at[cid, pl.ds(r0, RPT)])


def _dinv_rows(parts):
    ones = jnp.ones((NW, 128), jnp.float32)
    deg = lax.dot_general(parts, ones, (((0,), (0,)), ((), ())),
                          preferred_element_type=jnp.float32)
    return lax.rsqrt(deg + 1.0)[:N]


def _mm_body(x_ref, w_ref, parts_ref, p_ref):
    dinv = _dinv_rows(parts_ref[...])
    h = jnp.dot(x_ref[...], w_ref[...], preferred_element_type=jnp.float32)
    p_ref[...] = h * dinv


_mm_kernel = pl.pallas_call(
    _mm_body,
    out_shape=jax.ShapeDtypeStruct((N, D), jnp.float32),
)


def _fin_body(s_ref, p_ref, parts_ref, x_ref, b_ref, o_ref):
    dinv = _dinv_rows(parts_ref[...])
    s = (s_ref[0] + s_ref[1])[:N]
    agg = dinv * (s + p_ref[...]) + b_ref[...]
    o_ref[...] = jnp.maximum(agg, 0.0) + x_ref[...]


_fin_kernel = pl.pallas_call(
    _fin_body,
    out_shape=jax.ShapeDtypeStruct((N, D), jnp.float32),
)


def kernel(x, edge_index, W, b):
    ef = edge_index.reshape(2 * E)
    parts = _deg_kernel(ef)
    p = _mm_kernel(x, W, parts)
    s = _scatter_kernel(p, ef)
    return _fin_kernel(s, p, parts, x, b.reshape(1, D))

# --- scband reference (transcript-rebuilt; emitter-appended) ---
"""Pipeline reference for scband-residual-gnnblock-57277683860150 (READ-ONLY COPY).

The authoritative reference and input builder live on the scoring server;
editing this copy changes nothing except your own understanding.
"""

import jax, jax.numpy as jnp
import numpy as np

N = 10000
E = 320000
D = 128

def setup_inputs(seed: int = 0) -> dict:
    key = jax.random.key(seed)
    k1, k2, k3 = jax.random.split(key, 3)
    x = jax.random.normal(k1, (N, D), dtype=jnp.float32)
    edge_index = jax.random.randint(k2, (2, E), 0, N, dtype=jnp.int32)
    # GCNConv learned params (glorot init)
    scale = float(np.sqrt(6.0 / (D + D)))
    W = jax.random.uniform(k3, (D, D), dtype=jnp.float32, minval=-scale, maxval=scale)
    b = jnp.zeros((D,), dtype=jnp.float32)
    return {"x": x, "edge_index": edge_index, "W": W, "b": b}


def _gcn_conv(x, edge_index, W, b):
    # GCNConv with added self-loops and symmetric degree normalization
    src = edge_index[0]
    dst = edge_index[1]
    loop = jnp.arange(N, dtype=src.dtype)
    src = jnp.concatenate([src, loop])
    dst = jnp.concatenate([dst, loop])
    deg = jnp.zeros((N,), dtype=jnp.float32).at[dst].add(1.0)
    dinv = jax.lax.rsqrt(jnp.maximum(deg, 1.0))
    norm = dinv[src] * dinv[dst]
    h = x @ W
    msg = jnp.take(h, src, axis=0) * norm[:, None]
    agg = jnp.zeros((N, D), dtype=jnp.float32).at[dst].add(msg)
    return agg + b


def reference(x, edge_index, W, b):
    # ResidualGNNBlock.forward: conv -> norm(Identity) -> relu -> dropout(Identity) -> residual
    identity = x
    out = _gcn_conv(x, edge_index, W, b)
    out = jax.nn.relu(out)
    # identity.size(-1) == out.size(-1) -> residual add
    out = out + identity
    return out

if __name__ == "__main__":
    import jax
    _d = setup_inputs()
    print(jax.jit(kernel)(*tuple(_d.values())))

</pallas_src>

<mosaic_0001>
#map = affine_map<(d0, d1) -> (0)>
#map1 = affine_map<(d0, d1) -> (0, 0)>
module attributes {stable_mosaic.version = 14 : i64} {
  func.func @_deg_kernel(%arg0: i32, %arg1: i32, %arg2: memref<640000xi32, #tpu.memory_space<hbm>>, %arg3: memref<32x10112xf32, #tpu.memory_space<hbm>>, %arg4: memref<2560xi32, #tpu.memory_space<vmem>>, %arg5: memref<10112xf32, #tpu.memory_space<vmem>>) attributes {dimension_semantics = [#tpu.dimension_semantics<core_parallel>, #tpu.dimension_semantics<subcore_parallel>], iteration_bounds = array<i64: 2, 16>, scalar_prefetch = 0 : i64, scratch_operands = 2 : i64, tpu.core_type = #tpu.core_type<sc_vector_subcore>, window_params = [{transform_indices = #map}, {transform_indices = #map1}]} {
    %mul3A = arith.constant 2 : i32
    %mul3A_0 = arith.muli %arg1, %mul3A : i32
    %add3A = arith.addi %mul3A_0, %arg0 : i32
    %broadcast_in_dim3A = arith.constant 0.000000e+00 : f32
    %broadcast_in_dim3A_1 = vector.broadcast %broadcast_in_dim3A : f32 to vector<16xf32>
    %broadcast_in_dim3A_2 = arith.constant 1.000000e+00 : f32
    %broadcast_in_dim3A_3 = vector.broadcast %broadcast_in_dim3A_2 : f32 to vector<16xf32>
    %scan3A = arith.constant 0 : i32
    %scan3A_4 = arith.constant 0 : i32
    %scan3A_5 = arith.constant 632 : i32
    %scan3A_6 = arith.addi %scan3A_4, %scan3A_5 : i32
    %scan3A_7 = arith.constant 1 : i32
    scf.for %scan3A_26 = %scan3A_4 to %scan3A_6 step %scan3A_7  : i32 {
      %mul3A_27 = arith.constant 16 : i32
      %mul3A_28 = arith.muli %scan3A_26, %mul3A_27 : i32
      %swap3A = arith.index_cast %mul3A_28 : i32 to index
      %swap3A_29 = tpu.vector_load %arg5[%swap3A] {strides = array<i32>} : memref<10112xf32, #tpu.memory_space<vmem>>, vector<16xf32>,
      tpu.vector_store %arg5[%swap3A], %broadcast_in_dim3A_1 {strides = array<i32>} : memref<10112xf32, #tpu.memory_space<vmem>>, vector<16xf32>,
    }
    %scan3A_8 = arith.constant 632 : i32
    %mul3A_9 = arith.constant 80 : i32
    %mul3A_10 = arith.muli %add3A, %mul3A_9 : i32
    %mul3A_11 = arith.constant 128 : i32
    %mul3A_12 = arith.muli %mul3A_10, %mul3A_11 : i32
    %add3A_13 = arith.constant 320000 : i32
    %add3A_14 = arith.addi %add3A_13, %mul3A_12 : i32
    %eq3A = arith.constant 31 : i32
    %eq3A_15 = arith.cmpi eq, %add3A, %eq3A : i32
    %jit3A = arith.constant 1 : i32
    %jit3A_16 = arith.constant 4 : i32
    %select_n3A = arith.select %eq3A_15, %jit3A, %jit3A_16 : i32
    %while3A = arith.constant 0 : i32
    %while3A_17 = arith.constant 0 : i32
    %while3A_18 = arith.subi %select_n3A, %while3A_17 : i32
    %while3A_19 = arith.addi %while3A_17, %while3A_18 : i32
    %while3A_20 = arith.constant 1 : i32
    %while3A_21 = arith.divsi %while3A_18, %while3A_20 : i32
    %while3A_22 = arith.muli %while3A_21, %while3A_20 : i32
    %while3A_23 = arith.addi %while3A_17, %while3A_22 : i32
    %while3A_24 = arith.constant 1 : i32
    scf.for %while3A_26 = %while3A_17 to %while3A_23 step %while3A_24  : i32 {
      %mul3A_27 = arith.constant 2560 : i32
      %mul3A_28 = arith.muli %while3A_26, %mul3A_27 : i32
      %add3A_29 = arith.addi %add3A_14, %mul3A_28 : i32
      "tpu.region"() ({
        %run_scoped3A = tpu.sem_alloc : memref<!tpu.dma_semaphore, #tpu.memory_space<semaphore_mem>>
        %dma_start3A = tpu.memref_slice %arg2[%add3A_29] : memref<640000xi32, #tpu.memory_space<hbm>> -> memref<2560xi32, #tpu.memory_space<hbm>>
        %dma_start3A_36 = tpu.memref_slice %arg2[%add3A_29] : memref<640000xi32, #tpu.memory_space<hbm>> -> memref<2560xi32, #tpu.memory_space<hbm>>
        tpu.enqueue_dma source(%dma_start3A_36 : memref<2560xi32, #tpu.memory_space<hbm>>) target(%arg4 : memref<2560xi32, #tpu.memory_space<vmem>>) target_semaphore(%run_scoped3A : memref<!tpu.dma_semaphore, #tpu.memory_space<semaphore_mem>>)
        %dma_wait3A = tpu.memref_slice %arg2[%add3A_29] : memref<640000xi32, #tpu.memory_space<hbm>> -> memref<2560xi32, #tpu.memory_space<hbm>>
        %dma_wait3A_37 = tpu.memref_slice %arg2[%add3A_29] : memref<640000xi32, #tpu.memory_space<hbm>> -> memref<2560xi32, #tpu.memory_space<hbm>>
        tpu.wait_dma2 semaphore(%run_scoped3A : memref<!tpu.dma_semaphore, #tpu.memory_space<semaphore_mem>>) src(%dma_wait3A_37 : memref<2560xi32, #tpu.memory_space<hbm>>) dst(%arg4 : memref<2560xi32, #tpu.memory_space<vmem>>)
        tpu.yield
      }) : () -> ()
      %scan3A_30 = arith.constant 0 : i32
      %scan3A_31 = arith.constant 0 : i32
      %scan3A_32 = arith.constant 160 : i32
      %scan3A_33 = arith.addi %scan3A_31, %scan3A_32 : i32
      %scan3A_34 = arith.constant 1 : i32
      scf.for %scan3A_36 = %scan3A_31 to %scan3A_33 step %scan3A_34  : i32 {
        %mul3A_37 = arith.constant 16 : i32
        %mul3A_38 = arith.muli %scan3A_36, %mul3A_37 : i32
        %get3A = arith.index_cast %mul3A_38 : i32 to index
        %get3A_39 = tpu.vector_load %arg4[%get3A] {strides = array<i32>} : memref<2560xi32, #tpu.memory_space<vmem>>, vector<16xi32>,
        tpu.vector_store_idx %arg5[%get3A_39], %broadcast_in_dim3A_3 {add = true} : memref<10112xf32, #tpu.memory_space<vmem>>[vector<16xi32>], vector<16xf32>,
      }
      %scan3A_35 = arith.constant 160 : i32
    }
    %while3A_25 = arith.constant 1 : i32
    scf.for %while3A_26 = %while3A_23 to %while3A_19 step %while3A_25  : i32 {
      %mul3A_27 = arith.constant 2560 : i32
      %mul3A_28 = arith.muli %while3A_26, %mul3A_27 : i32
      %add3A_29 = arith.addi %add3A_14, %mul3A_28 : i32
      "tpu.region"() ({
        %run_scoped3A = tpu.sem_alloc : memref<!tpu.dma_semaphore, #tpu.memory_space<semaphore_mem>>
        %dma_start3A = tpu.memref_slice %arg2[%add3A_29] : memref<640000xi32, #tpu.memory_space<hbm>> -> memref<2560xi32, #tpu.memory_space<hbm>>
        %dma_start3A_36 = tpu.memref_slice %arg2[%add3A_29] : memref<640000xi32, #tpu.memory_space<hbm>> -> memref<2560xi32, #tpu.memory_space<hbm>>
        tpu.enqueue_dma source(%dma_start3A_36 : memref<2560xi32, #tpu.memory_space<hbm>>) target(%arg4 : memref<2560xi32, #tpu.memory_space<vmem>>) target_semaphore(%run_scoped3A : memref<!tpu.dma_semaphore, #tpu.memory_space<semaphore_mem>>)
        %dma_wait3A = tpu.memref_slice %arg2[%add3A_29] : memref<640000xi32, #tpu.memory_space<hbm>> -> memref<2560xi32, #tpu.memory_space<hbm>>
        %dma_wait3A_37 = tpu.memref_slice %arg2[%add3A_29] : memref<640000xi32, #tpu.memory_space<hbm>> -> memref<2560xi32, #tpu.memory_space<hbm>>
        tpu.wait_dma2 semaphore(%run_scoped3A : memref<!tpu.dma_semaphore, #tpu.memory_space<semaphore_mem>>) src(%dma_wait3A_37 : memref<2560xi32, #tpu.memory_space<hbm>>) dst(%arg4 : memref<2560xi32, #tpu.memory_space<vmem>>)
        tpu.yield
      }) : () -> ()
      %scan3A_30 = arith.constant 0 : i32
      %scan3A_31 = arith.constant 0 : i32
      %scan3A_32 = arith.constant 160 : i32
      %scan3A_33 = arith.addi %scan3A_31, %scan3A_32 : i32
      %scan3A_34 = arith.constant 1 : i32
      scf.for %scan3A_36 = %scan3A_31 to %scan3A_33 step %scan3A_34  : i32 {
        %mul3A_37 = arith.constant 16 : i32
        %mul3A_38 = arith.muli %scan3A_36, %mul3A_37 : i32
        %get3A = arith.index_cast %mul3A_38 : i32 to index
        %get3A_39 = tpu.vector_load %arg4[%get3A] {strides = array<i32>} : memref<2560xi32, #tpu.memory_space<vmem>>, vector<16xi32>,
        tpu.vector_store_idx %arg5[%get3A_39], %broadcast_in_dim3A_3 {add = true} : memref<10112xf32, #tpu.memory_space<vmem>>[vector<16xi32>], vector<16xf32>,
      }
      %scan3A_35 = arith.constant 160 : i32
    }
    "tpu.region"() ({
      %run_scoped3A = tpu.sem_alloc : memref<!tpu.dma_semaphore, #tpu.memory_space<semaphore_mem>>
      %dma_start3A = arith.constant 0 : i32
      %dma_start3A_26 = tpu.memref_slice %arg3[%add3A, %dma_start3A] : memref<32x10112xf32, #tpu.memory_space<hbm>> -> memref<1x10112xf32, #tpu.memory_space<hbm>>
      %dma_start3A_27 = tpu.memref_squeeze %dma_start3A_26 : memref<1x10112xf32, #tpu.memory_space<hbm>> -> memref<10112xf32, #tpu.memory_space<hbm>>
      %dma_start3A_28 = arith.constant 0 : i32
      %dma_start3A_29 = tpu.memref_slice %arg3[%add3A, %dma_start3A_28] : memref<32x10112xf32, #tpu.memory_space<hbm>> -> memref<1x10112xf32, #tpu.memory_space<hbm>>
      %dma_start3A_30 = tpu.memref_squeeze %dma_start3A_29 : memref<1x10112xf32, #tpu.memory_space<hbm>> -> memref<10112xf32, #tpu.memory_space<hbm>>
      tpu.enqueue_dma source(%arg5 : memref<10112xf32, #tpu.memory_space<vmem>>) target(%dma_start3A_30 : memref<10112xf32, #tpu.memory_space<hbm>>) target_semaphore(%run_scoped3A : memref<!tpu.dma_semaphore, #tpu.memory_space<semaphore_mem>>)
      %dma_wait3A = arith.constant 0 : i32
      %dma_wait3A_31 = tpu.memref_slice %arg3[%add3A, %dma_wait3A] : memref<32x10112xf32, #tpu.memory_space<hbm>> -> memref<1x10112xf32, #tpu.memory_space<hbm>>
      %dma_wait3A_32 = tpu.memref_squeeze %dma_wait3A_31 : memref<1x10112xf32, #tpu.memory_space<hbm>> -> memref<10112xf32, #tpu.memory_space<hbm>>
      %dma_wait3A_33 = arith.constant 0 : i32
      %dma_wait3A_34 = tpu.memref_slice %arg3[%add3A, %dma_wait3A_33] : memref<32x10112xf32, #tpu.memory_space<hbm>> -> memref<1x10112xf32, #tpu.memory_space<hbm>>
      %dma_wait3A_35 = tpu.memref_squeeze %dma_wait3A_34 : memref<1x10112xf32, #tpu.memory_space<hbm>> -> memref<10112xf32, #tpu.memory_space<hbm>>
      tpu.wait_dma2 semaphore(%run_scoped3A : memref<!tpu.dma_semaphore, #tpu.memory_space<semaphore_mem>>) src(%arg5 : memref<10112xf32, #tpu.memory_space<vmem>>) dst(%dma_wait3A_35 : memref<10112xf32, #tpu.memory_space<hbm>>)
      tpu.yield
    }) : () -> ()
    return
  }
}

#map = affine_map<(d0, d1) -> (0, 0)>
#map1 = affine_map<(d0, d1) -> (0)>
#map2 = affine_map<(d0, d1) -> (0, 0, 0)>
module attributes {stable_mosaic.version = 14 : i64} {
  func.func @_scatter_kernel(%arg0: i32, %arg1: i32, %arg2: memref<10000x128xf32, #tpu.memory_space<hbm>>, %arg3: memref<640000xi32, #tpu.memory_space<hbm>>, %arg4: memref<2x10112x128xf32, #tpu.memory_space<hbm>>, %arg5: memref<2560xi32, #tpu.memory_space<vmem>>, %arg6: memref<2560xi32, #tpu.memory_space<vmem>>, %arg7: memref<2x128x128xf32, #tpu.memory_space<vmem>>, %arg8: memref<10112x128xf32, #tpu.memory_space<vmem_shared>>, %arg9: memref<!tpu.dma_semaphore, #tpu.memory_space<semaphore_mem>>, %arg10: memref<!tpu.dma_semaphore, #tpu.memory_space<semaphore_mem>>) attributes {dimension_semantics = [#tpu.dimension_semantics<core_parallel>, #tpu.dimension_semantics<subcore_parallel>], iteration_bounds = array<i64: 2, 16>, scalar_prefetch = 0 : i64, scratch_operands = 6 : i64, tpu.core_type = #tpu.core_type<sc_vector_subcore>, window_params = [{transform_indices = #map}, {transform_indices = #map1}, {transform_indices = #map2}]} {
    %mul3A = arith.constant 2 : i32
    %mul3A_0 = arith.muli %arg1, %mul3A : i32
    %add3A = arith.addi %mul3A_0, %arg0 : i32
    %broadcast_in_dim3A = arith.constant 0.000000e+00 : f32
    %broadcast_in_dim3A_1 = vector.broadcast %broadcast_in_dim3A : f32 to vector<16xf32>
    %scan3A = arith.constant 0 : i32
    %scan3A_2 = arith.constant 0 : i32
    %scan3A_3 = arith.constant 0 : i32
    %scan3A_4 = arith.constant 1024 : i32
    %scan3A_5 = arith.addi %scan3A_3, %scan3A_4 : i32
    %scan3A_6 = arith.constant 1 : i32
    scf.for %scan3A_42 = %scan3A_3 to %scan3A_5 step %scan3A_6  : i32 {
      %jit3A_43 = arith.constant 8 : i32
      %div3A = arith.divsi %scan3A_42, %jit3A_43 : i32
      %sign3A = arith.constant 0 : i32
      %sign3A_44 = arith.cmpi sgt, %scan3A_42, %sign3A : i32
      %sign3A_45 = arith.extui %sign3A_44 : i1 to i32
      %sign3A_46 = arith.constant 0 : i32
      %sign3A_47 = arith.cmpi slt, %scan3A_42, %sign3A_46 : i32
      %sign3A_48 = arith.extui %sign3A_47 : i1 to i32
      %sign3A_49 = arith.subi %sign3A_45, %sign3A_48 : i32
      %sign3A_50 = arith.constant 0 : i32
      %sign3A_51 = arith.cmpi sgt, %jit3A_43, %sign3A_50 : i32
      %sign3A_52 = arith.extui %sign3A_51 : i1 to i32
      %sign3A_53 = arith.constant 0 : i32
      %sign3A_54 = arith.cmpi slt, %jit3A_43, %sign3A_53 : i32
      %sign3A_55 = arith.extui %sign3A_54 : i1 to i32
      %sign3A_56 = arith.subi %sign3A_52, %sign3A_55 : i32
      %ne3A = arith.cmpi ne, %sign3A_49, %sign3A_56 : i32
      %rem3A = arith.remsi %scan3A_42, %jit3A_43 : i32
      %ne3A_57 = arith.constant 0 : i32
      %ne3A_58 = arith.cmpi ne, %rem3A, %ne3A_57 : i32
      %and3A = arith.andi %ne3A, %ne3A_58 : i1
      %sub3A = arith.constant 1 : i32
      %sub3A_59 = arith.subi %div3A, %sub3A : i32
      %select_n3A_60 = arith.select %and3A, %sub3A_59, %div3A : i32
      %jit3A_61 = arith.constant 8 : i32
      %eq3A_62 = arith.constant 0 : i32
      %eq3A_63 = arith.cmpi eq, %jit3A_61, %eq3A_62 : i32
      %jit3A_64 = arith.constant 1 : i32
      %select_n3A_65 = arith.select %eq3A_63, %jit3A_64, %jit3A_61 : i32
      %rem3A_66 = arith.remsi %scan3A_42, %select_n3A_65 : i32
      %ne3A_67 = arith.constant 0 : i32
      %ne3A_68 = arith.cmpi ne, %rem3A_66, %ne3A_67 : i32
      %lt3A = arith.constant 0 : i32
      %lt3A_69 = arith.cmpi slt, %rem3A_66, %lt3A : i32
      %lt3A_70 = arith.constant 0 : i32
      %lt3A_71 = arith.cmpi slt, %select_n3A_65, %lt3A_70 : i32
      %ne3A_72 = arith.xori %lt3A_69, %lt3A_71 : i1
      %and3A_73 = arith.andi %ne3A_72, %ne3A_68 : i1
      %add3A_74 = arith.addi %rem3A_66, %select_n3A_65 : i32
      %select_n3A_75 = arith.select %and3A_73, %add3A_74, %rem3A_66 : i32
      %mul3A_76 = arith.constant 16 : i32
      %mul3A_77 = arith.muli %select_n3A_75, %mul3A_76 : i32
      %swap3A = arith.constant 0 : i32
      %swap3A_78 = arith.constant 0 : i32
      %swap3A_79 = tpu.memref_slice %arg7[%scan3A_2, %swap3A, %swap3A_78] : memref<2x128x128xf32, #tpu.memory_space<vmem>> -> memref<1x128x128xf32, #tpu.memory_space<vmem>>
      %swap3A_80 = tpu.memref_squeeze %swap3A_79 : memref<1x128x128xf32, #tpu.memory_space<vmem>> -> memref<128x128xf32, #tpu.memory_space<vmem>>
      %swap3A_81 = arith.index_cast %select_n3A_60 : i32 to index
      %swap3A_82 = arith.index_cast %mul3A_77 : i32 to index
      %swap3A_83 = tpu.vector_load %swap3A_80[%swap3A_81, %swap3A_82] {strides = array<i32>} : memref<128x128xf32, #tpu.memory_space<vmem>>, vector<16xf32>,
      tpu.vector_store %swap3A_80[%swap3A_81, %swap3A_82], %broadcast_in_dim3A_1 {strides = array<i32>} : memref<128x128xf32, #tpu.memory_space<vmem>>, vector<16xf32>,
    }
    %scan3A_7 = arith.constant 1024 : i32
    %mul3A_8 = arith.constant 632 : i32
    %mul3A_9 = arith.muli %arg1, %mul3A_8 : i32
    %add3A_10 = arith.constant 0 : i32
    %add3A_11 = arith.addi %mul3A_9, %add3A_10 : i32
    %run_scoped3A = arith.constant 0 : i32
    "tpu.region"() ({
      %run_scoped3A_42 = tpu.sem_alloc : memref<!tpu.dma_semaphore, #tpu.memory_space<semaphore_mem>>
      %dma_start3A = arith.constant 0 : i32
      %dma_start3A_43 = arith.constant 0 : i32
      %dma_start3A_44 = tpu.memref_slice %arg7[%run_scoped3A, %dma_start3A, %dma_start3A_43] : memref<2x128x128xf32, #tpu.memory_space<vmem>> -> memref<1x128x128xf32, #tpu.memory_space<vmem>>
      %dma_start3A_45 = tpu.memref_squeeze %dma_start3A_44 : memref<1x128x128xf32, #tpu.memory_space<vmem>> -> memref<128x128xf32, #tpu.memory_space<vmem>>
      %dma_start3A_46 = arith.constant 0 : i32
      %dma_start3A_47 = tpu.memref_slice %arg8[%add3A_11, %dma_start3A_46] : memref<10112x128xf32, #tpu.memory_space<vmem_shared>> -> memref<128x128xf32, #tpu.memory_space<vmem_shared>>
      %dma_start3A_48 = arith.constant 0 : i32
      %dma_start3A_49 = tpu.memref_slice %arg8[%add3A_11, %dma_start3A_48] : memref<10112x128xf32, #tpu.memory_space<vmem_shared>> -> memref<128x128xf32, #tpu.memory_space<vmem_shared>>
      %dma_start3A_50 = arith.constant 0 : i32
      %dma_start3A_51 = arith.constant 0 : i32
      %dma_start3A_52 = tpu.memref_slice %arg7[%run_scoped3A, %dma_start3A_50, %dma_start3A_51] : memref<2x128x128xf32, #tpu.memory_space<vmem>> -> memref<1x128x128xf32, #tpu.memory_space<vmem>>
      %dma_start3A_53 = tpu.memref_squeeze %dma_start3A_52 : memref<1x128x128xf32, #tpu.memory_space<vmem>> -> memref<128x128xf32, #tpu.memory_space<vmem>>
      tpu.enqueue_dma source(%dma_start3A_53 : memref<128x128xf32, #tpu.memory_space<vmem>>) target(%dma_start3A_49 : memref<128x128xf32, #tpu.memory_space<vmem_shared>>) target_semaphore(%run_scoped3A_42 : memref<!tpu.dma_semaphore, #tpu.memory_space<semaphore_mem>>)
      %dma_wait3A = arith.constant 0 : i32
      %dma_wait3A_54 = arith.constant 0 : i32
      %dma_wait3A_55 = tpu.memref_slice %arg7[%run_scoped3A, %dma_wait3A, %dma_wait3A_54] : memref<2x128x128xf32, #tpu.memory_space<vmem>> -> memref<1x128x128xf32, #tpu.memory_space<vmem>>
      %dma_wait3A_56 = tpu.memref_squeeze %dma_wait3A_55 : memref<1x128x128xf32, #tpu.memory_space<vmem>> -> memref<128x128xf32, #tpu.memory_space<vmem>>
      %dma_wait3A_57 = arith.constant 0 : i32
      %dma_wait3A_58 = tpu.memref_slice %arg8[%add3A_11, %dma_wait3A_57] : memref<10112x128xf32, #tpu.memory_space<vmem_shared>> -> memref<128x128xf32, #tpu.memory_space<vmem_shared>>
      %dma_wait3A_59 = arith.constant 0 : i32
      %dma_wait3A_60 = tpu.memref_slice %arg8[%add3A_11, %dma_wait3A_59] : memref<10112x128xf32, #tpu.memory_space<vmem_shared>> -> memref<128x128xf32, #tpu.memory_space<vmem_shared>>
      %dma_wait3A_61 = arith.constant 0 : i32
      %dma_wait3A_62 = arith.constant 0 : i32
      %dma_wait3A_63 = tpu.memref_slice %arg7[%run_scoped3A, %dma_wait3A_61, %dma_wait3A_62] : memref<2x128x128xf32, #tpu.memory_space<vmem>> -> memref<1x128x128xf32, #tpu.memory_space<vmem>>
      %dma_wait3A_64 = tpu.memref_squeeze %dma_wait3A_63 : memref<1x128x128xf32, #tpu.memory_space<vmem>> -> memref<128x128xf32, #tpu.memory_space<vmem>>
      tpu.wait_dma2 semaphore(%run_scoped3A_42 : memref<!tpu.dma_semaphore, #tpu.memory_space<semaphore_mem>>) src(%dma_wait3A_64 : memref<128x128xf32, #tpu.memory_space<vmem>>) dst(%dma_wait3A_60 : memref<128x128xf32, #tpu.memory_space<vmem_shared>>)
      tpu.yield
    }) : () -> ()
    %add3A_12 = arith.constant 128 : i32
    %add3A_13 = arith.addi %mul3A_9, %add3A_12 : i32
    %run_scoped3A_14 = arith.constant 0 : i32
    "tpu.region"() ({
      %run_scoped3A_42 = tpu.sem_alloc : memref<!tpu.dma_semaphore, #tpu.memory_space<semaphore_mem>>
      %dma_start3A = arith.constant 0 : i32
      %dma_start3A_43 = arith.constant 0 : i32
      %dma_start3A_44 = tpu.memref_slice %arg7[%run_scoped3A_14, %dma_start3A, %dma_start3A_43] : memref<2x128x128xf32, #tpu.memory_space<vmem>> -> memref<1x128x128xf32, #tpu.memory_space<vmem>>
      %dma_start3A_45 = tpu.memref_squeeze %dma_start3A_44 : memref<1x128x128xf32, #tpu.memory_space<vmem>> -> memref<128x128xf32, #tpu.memory_space<vmem>>
      %dma_start3A_46 = arith.constant 0 : i32
      %dma_start3A_47 = tpu.memref_slice %arg8[%add3A_13, %dma_start3A_46] : memref<10112x128xf32, #tpu.memory_space<vmem_shared>> -> memref<128x128xf32, #tpu.memory_space<vmem_shared>>
      %dma_start3A_48 = arith.constant 0 : i32
      %dma_start3A_49 = tpu.memref_slice %arg8[%add3A_13, %dma_start3A_48] : memref<10112x128xf32, #tpu.memory_space<vmem_shared>> -> memref<128x128xf32, #tpu.memory_space<vmem_shared>>
      %dma_start3A_50 = arith.constant 0 : i32
      %dma_start3A_51 = arith.constant 0 : i32
      %dma_start3A_52 = tpu.memref_slice %arg7[%run_scoped3A_14, %dma_start3A_50, %dma_start3A_51] : memref<2x128x128xf32, #tpu.memory_space<vmem>> -> memref<1x128x128xf32, #tpu.memory_space<vmem>>
      %dma_start3A_53 = tpu.memref_squeeze %dma_start3A_52 : memref<1x128x128xf32, #tpu.memory_space<vmem>> -> memref<128x128xf32, #tpu.memory_space<vmem>>
      tpu.enqueue_dma source(%dma_start3A_53 : memref<128x128xf32, #tpu.memory_space<vmem>>) target(%dma_start3A_49 : memref<128x128xf32, #tpu.memory_space<vmem_shared>>) target_semaphore(%run_scoped3A_42 : memref<!tpu.dma_semaphore, #tpu.memory_space<semaphore_mem>>)
      %dma_wait3A = arith.constant 0 : i32
      %dma_wait3A_54 = arith.constant 0 : i32
      %dma_wait3A_55 = tpu.memref_slice %arg7[%run_scoped3A_14, %dma_wait3A, %dma_wait3A_54] : memref<2x128x128xf32, #tpu.memory_space<vmem>> -> memref<1x128x128xf32, #tpu.memory_space<vmem>>
      %dma_wait3A_56 = tpu.memref_squeeze %dma_wait3A_55 : memref<1x128x128xf32, #tpu.memory_space<vmem>> -> memref<128x128xf32, #tpu.memory_space<vmem>>
      %dma_wait3A_57 = arith.constant 0 : i32
      %dma_wait3A_58 = tpu.memref_slice %arg8[%add3A_13, %dma_wait3A_57] : memref<10112x128xf32, #tpu.memory_space<vmem_shared>> -> memref<128x128xf32, #tpu.memory_space<vmem_shared>>
      %dma_wait3A_59 = arith.constant 0 : i32
      %dma_wait3A_60 = tpu.memref_slice %arg8[%add3A_13, %dma_wait3A_59] : memref<10112x128xf32, #tpu.memory_space<vmem_shared>> -> memref<128x128xf32, #tpu.memory_space<vmem_shared>>
      %dma_wait3A_61 = arith.constant 0 : i32
      %dma_wait3A_62 = arith.constant 0 : i32
      %dma_wait3A_63 = tpu.memref_slice %arg7[%run_scoped3A_14, %dma_wait3A_61, %dma_wait3A_62] : memref<2x128x128xf32, #tpu.memory_space<vmem>> -> memref<1x128x128xf32, #tpu.memory_space<vmem>>
      %dma_wait3A_64 = tpu.memref_squeeze %dma_wait3A_63 : memref<1x128x128xf32, #tpu.memory_space<vmem>> -> memref<128x128xf32, #tpu.memory_space<vmem>>
      tpu.wait_dma2 semaphore(%run_scoped3A_42 : memref<!tpu.dma_semaphore, #tpu.memory_space<semaphore_mem>>) src(%dma_wait3A_64 : memref<128x128xf32, #tpu.memory_space<vmem>>) dst(%dma_wait3A_60 : memref<128x128xf32, #tpu.memory_space<vmem_shared>>)
      tpu.yield
    }) : () -> ()
    %add3A_15 = arith.constant 256 : i32
    %add3A_16 = arith.addi %mul3A_9, %add3A_15 : i32
    %run_scoped3A_17 = arith.constant 0 : i32
    "tpu.region"() ({
      %run_scoped3A_42 = tpu.sem_alloc : memref<!tpu.dma_semaphore, #tpu.memory_space<semaphore_mem>>
      %dma_start3A = arith.constant 0 : i32
      %dma_start3A_43 = arith.constant 0 : i32
      %dma_start3A_44 = tpu.memref_slice %arg7[%run_scoped3A_17, %dma_start3A, %dma_start3A_43] : memref<2x128x128xf32, #tpu.memory_space<vmem>> -> memref<1x128x128xf32, #tpu.memory_space<vmem>>
      %dma_start3A_45 = tpu.memref_squeeze %dma_start3A_44 : memref<1x128x128xf32, #tpu.memory_space<vmem>> -> memref<128x128xf32, #tpu.memory_space<vmem>>
      %dma_start3A_46 = arith.constant 0 : i32
      %dma_start3A_47 = tpu.memref_slice %arg8[%add3A_16, %dma_start3A_46] : memref<10112x128xf32, #tpu.memory_space<vmem_shared>> -> memref<128x128xf32, #tpu.memory_space<vmem_shared>>
      %dma_start3A_48 = arith.constant 0 : i32
      %dma_start3A_49 = tpu.memref_slice %arg8[%add3A_16, %dma_start3A_48] : memref<10112x128xf32, #tpu.memory_space<vmem_shared>> -> memref<128x128xf32, #tpu.memory_space<vmem_shared>>
      %dma_start3A_50 = arith.constant 0 : i32
      %dma_start3A_51 = arith.constant 0 : i32
      %dma_start3A_52 = tpu.memref_slice %arg7[%run_scoped3A_17, %dma_start3A_50, %dma_start3A_51] : memref<2x128x128xf32, #tpu.memory_space<vmem>> -> memref<1x128x128xf32, #tpu.memory_space<vmem>>
      %dma_start3A_53 = tpu.memref_squeeze %dma_start3A_52 : memref<1x128x128xf32, #tpu.memory_space<vmem>> -> memref<128x128xf32, #tpu.memory_space<vmem>>
      tpu.enqueue_dma source(%dma_start3A_53 : memref<128x128xf32, #tpu.memory_space<vmem>>) target(%dma_start3A_49 : memref<128x128xf32, #tpu.memory_space<vmem_shared>>) target_semaphore(%run_scoped3A_42 : memref<!tpu.dma_semaphore, #tpu.memory_space<semaphore_mem>>)
      %dma_wait3A = arith.constant 0 : i32
      %dma_wait3A_54 = arith.constant 0 : i32
      %dma_wait3A_55 = tpu.memref_slice %arg7[%run_scoped3A_17, %dma_wait3A, %dma_wait3A_54] : memref<2x128x128xf32, #tpu.memory_space<vmem>> -> memref<1x128x128xf32, #tpu.memory_space<vmem>>
      %dma_wait3A_56 = tpu.memref_squeeze %dma_wait3A_55 : memref<1x128x128xf32, #tpu.memory_space<vmem>> -> memref<128x128xf32, #tpu.memory_space<vmem>>
      %dma_wait3A_57 = arith.constant 0 : i32
      %dma_wait3A_58 = tpu.memref_slice %arg8[%add3A_16, %dma_wait3A_57] : memref<10112x128xf32, #tpu.memory_space<vmem_shared>> -> memref<128x128xf32, #tpu.memory_space<vmem_shared>>
      %dma_wait3A_59 = arith.constant 0 : i32
      %dma_wait3A_60 = tpu.memref_slice %arg8[%add3A_16, %dma_wait3A_59] : memref<10112x128xf32, #tpu.memory_space<vmem_shared>> -> memref<128x128xf32, #tpu.memory_space<vmem_shared>>
      %dma_wait3A_61 = arith.constant 0 : i32
      %dma_wait3A_62 = arith.constant 0 : i32
      %dma_wait3A_63 = tpu.memref_slice %arg7[%run_scoped3A_17, %dma_wait3A_61, %dma_wait3A_62] : memref<2x128x128xf32, #tpu.memory_space<vmem>> -> memref<1x128x128xf32, #tpu.memory_space<vmem>>
      %dma_wait3A_64 = tpu.memref_squeeze %dma_wait3A_63 : memref<1x128x128xf32, #tpu.memory_space<vmem>> -> memref<128x128xf32, #tpu.memory_space<vmem>>
      tpu.wait_dma2 semaphore(%run_scoped3A_42 : memref<!tpu.dma_semaphore, #tpu.memory_space<semaphore_mem>>) src(%dma_wait3A_64 : memref<128x128xf32, #tpu.memory_space<vmem>>) dst(%dma_wait3A_60 : memref<128x128xf32, #tpu.memory_space<vmem_shared>>)
      tpu.yield
    }) : () -> ()
    %add3A_18 = arith.constant 384 : i32
    %add3A_19 = arith.addi %mul3A_9, %add3A_18 : i32
    %run_scoped3A_20 = arith.constant 0 : i32
    "tpu.region"() ({
      %run_scoped3A_42 = tpu.sem_alloc : memref<!tpu.dma_semaphore, #tpu.memory_space<semaphore_mem>>
      %dma_start3A = arith.constant 0 : i32
      %dma_start3A_43 = arith.constant 0 : i32
      %dma_start3A_44 = tpu.memref_slice %arg7[%run_scoped3A_20, %dma_start3A, %dma_start3A_43] : memref<2x128x128xf32, #tpu.memory_space<vmem>> -> memref<1x128x128xf32, #tpu.memory_space<vmem>>
      %dma_start3A_45 = tpu.memref_squeeze %dma_start3A_44 : memref<1x128x128xf32, #tpu.memory_space<vmem>> -> memref<128x128xf32, #tpu.memory_space<vmem>>
      %dma_start3A_46 = arith.constant 0 : i32
      %dma_start3A_47 = tpu.memref_slice %arg8[%add3A_19, %dma_start3A_46] : memref<10112x128xf32, #tpu.memory_space<vmem_shared>> -> memref<128x128xf32, #tpu.memory_space<vmem_shared>>
      %dma_start3A_48 = arith.constant 0 : i32
      %dma_start3A_49 = tpu.memref_slice %arg8[%add3A_19, %dma_start3A_48] : memref<10112x128xf32, #tpu.memory_space<vmem_shared>> -> memref<128x128xf32, #tpu.memory_space<vmem_shared>>
      %dma_start3A_50 = arith.constant 0 : i32
      %dma_start3A_51 = arith.constant 0 : i32
      %dma_start3A_52 = tpu.memref_slice %arg7[%run_scoped3A_20, %dma_start3A_50, %dma_start3A_51] : memref<2x128x128xf32, #tpu.memory_space<vmem>> -> memref<1x128x128xf32, #tpu.memory_space<vmem>>
      %dma_start3A_53 = tpu.memref_squeeze %dma_start3A_52 : memref<1x128x128xf32, #tpu.memory_space<vmem>> -> memref<128x128xf32, #tpu.memory_space<vmem>>
      tpu.enqueue_dma source(%dma_start3A_53 : memref<128x128xf32, #tpu.memory_space<vmem>>) target(%dma_start3A_49 : memref<128x128xf32, #tpu.memory_space<vmem_shared>>) target_semaphore(%run_scoped3A_42 : memref<!tpu.dma_semaphore, #tpu.memory_space<semaphore_mem>>)
      %dma_wait3A = arith.constant 0 : i32
      %dma_wait3A_54 = arith.constant 0 : i32
      %dma_wait3A_55 = tpu.memref_slice %arg7[%run_scoped3A_20, %dma_wait3A, %dma_wait3A_54] : memref<2x128x128xf32, #tpu.memory_space<vmem>> -> memref<1x128x128xf32, #tpu.memory_space<vmem>>
      %dma_wait3A_56 = tpu.memref_squeeze %dma_wait3A_55 : memref<1x128x128xf32, #tpu.memory_space<vmem>> -> memref<128x128xf32, #tpu.memory_space<vmem>>
      %dma_wait3A_57 = arith.constant 0 : i32
      %dma_wait3A_58 = tpu.memref_slice %arg8[%add3A_19, %dma_wait3A_57] : memref<10112x128xf32, #tpu.memory_space<vmem_shared>> -> memref<128x128xf32, #tpu.memory_space<vmem_shared>>
      %dma_wait3A_59 = arith.constant 0 : i32
      %dma_wait3A_60 = tpu.memref_slice %arg8[%add3A_19, %dma_wait3A_59] : memref<10112x128xf32, #tpu.memory_space<vmem_shared>> -> memref<128x128xf32, #tpu.memory_space<vmem_shared>>
      %dma_wait3A_61 = arith.constant 0 : i32
      %dma_wait3A_62 = arith.constant 0 : i32
      %dma_wait3A_63 = tpu.memref_slice %arg7[%run_scoped3A_20, %dma_wait3A_61, %dma_wait3A_62] : memref<2x128x128xf32, #tpu.memory_space<vmem>> -> memref<1x128x128xf32, #tpu.memory_space<vmem>>
      %dma_wait3A_64 = tpu.memref_squeeze %dma_wait3A_63 : memref<1x128x128xf32, #tpu.memory_space<vmem>> -> memref<128x128xf32, #tpu.memory_space<vmem>>
      tpu.wait_dma2 semaphore(%run_scoped3A_42 : memref<!tpu.dma_semaphore, #tpu.memory_space<semaphore_mem>>) src(%dma_wait3A_64 : memref<128x128xf32, #tpu.memory_space<vmem>>) dst(%dma_wait3A_60 : memref<128x128xf32, #tpu.memory_space<vmem_shared>>)
      tpu.yield
    }) : () -> ()
    %add3A_21 = arith.constant 512 : i32
    %add3A_22 = arith.addi %mul3A_9, %add3A_21 : i32
    %run_scoped3A_23 = arith.constant 0 : i32
    "tpu.region"() ({
      %run_scoped3A_42 = tpu.sem_alloc : memref<!tpu.dma_semaphore, #tpu.memory_space<semaphore_mem>>
      %dma_start3A = arith.constant 0 : i32
      %dma_start3A_43 = arith.constant 0 : i32
      %dma_start3A_44 = tpu.memref_slice %arg7[%run_scoped3A_23, %dma_start3A, %dma_start3A_43] : memref<2x128x128xf32, #tpu.memory_space<vmem>> -> memref<1x128x128xf32, #tpu.memory_space<vmem>>
      %dma_start3A_45 = tpu.memref_squeeze %dma_start3A_44 : memref<1x128x128xf32, #tpu.memory_space<vmem>> -> memref<128x128xf32, #tpu.memory_space<vmem>>
      %dma_start3A_46 = arith.constant 0 : i32
      %dma_start3A_47 = arith.constant 0 : i32
      %dma_start3A_48 = tpu.memref_slice %dma_start3A_45[%dma_start3A_46, %dma_start3A_47] : memref<128x128xf32, #tpu.memory_space<vmem>> -> memref<120x128xf32, #tpu.memory_space<vmem>>
      %dma_start3A_49 = arith.constant 0 : i32
      %dma_start3A_50 = tpu.memref_slice %arg8[%add3A_22, %dma_start3A_49] : memref<10112x128xf32, #tpu.memory_space<vmem_shared>> -> memref<120x128xf32, #tpu.memory_space<vmem_shared>>
      %dma_start3A_51 = arith.constant 0 : i32
      %dma_start3A_52 = tpu.memref_slice %arg8[%add3A_22, %dma_start3A_51] : memref<10112x128xf32, #tpu.memory_space<vmem_shared>> -> memref<120x128xf32, #tpu.memory_space<vmem_shared>>
      %dma_start3A_53 = arith.constant 0 : i32
      %dma_start3A_54 = arith.constant 0 : i32
      %dma_start3A_55 = tpu.memref_slice %arg7[%run_scoped3A_23, %dma_start3A_53, %dma_start3A_54] : memref<2x128x128xf32, #tpu.memory_space<vmem>> -> memref<1x128x128xf32, #tpu.memory_space<vmem>>
      %dma_start3A_56 = tpu.memref_squeeze %dma_start3A_55 : memref<1x128x128xf32, #tpu.memory_space<vmem>> -> memref<128x128xf32, #tpu.memory_space<vmem>>
      %dma_start3A_57 = arith.constant 0 : i32
      %dma_start3A_58 = arith.constant 0 : i32
      %dma_start3A_59 = tpu.memref_slice %dma_start3A_56[%dma_start3A_57, %dma_start3A_58] : memref<128x128xf32, #tpu.memory_space<vmem>> -> memref<120x128xf32, #tpu.memory_space<vmem>>
      tpu.enqueue_dma source(%dma_start3A_59 : memref<120x128xf32, #tpu.memory_space<vmem>>) target(%dma_start3A_52 : memref<120x128xf32, #tpu.memory_space<vmem_shared>>) target_semaphore(%run_scoped3A_42 : memref<!tpu.dma_semaphore, #tpu.memory_space<semaphore_mem>>)
      %dma_wait3A = arith.constant 0 : i32
      %dma_wait3A_60 = arith.constant 0 : i32
      %dma_wait3A_61 = tpu.memref_slice %arg7[%run_scoped3A_23, %dma_wait3A, %dma_wait3A_60] : memref<2x128x128xf32, #tpu.memory_space<vmem>> -> memref<1x128x128xf32, #tpu.memory_space<vmem>>
      %dma_wait3A_62 = tpu.memref_squeeze %dma_wait3A_61 : memref<1x128x128xf32, #tpu.memory_space<vmem>> -> memref<128x128xf32, #tpu.memory_space<vmem>>
      %dma_wait3A_63 = arith.constant 0 : i32
      %dma_wait3A_64 = arith.constant 0 : i32
      %dma_wait3A_65 = tpu.memref_slice %dma_wait3A_62[%dma_wait3A_63, %dma_wait3A_64] : memref<128x128xf32, #tpu.memory_space<vmem>> -> memref<120x128xf32, #tpu.memory_space<vmem>>
      %dma_wait3A_66 = arith.constant 0 : i32
      %dma_wait3A_67 = tpu.memref_slice %arg8[%add3A_22, %dma_wait3A_66] : memref<10112x128xf32, #tpu.memory_space<vmem_shared>> -> memref<120x128xf32, #tpu.memory_space<vmem_shared>>
      %dma_wait3A_68 = arith.constant 0 : i32
      %dma_wait3A_69 = tpu.memref_slice %arg8[%add3A_22, %dma_wait3A_68] : memref<10112x128xf32, #tpu.memory_space<vmem_shared>> -> memref<120x128xf32, #tpu.memory_space<vmem_shared>>
      %dma_wait3A_70 = arith.constant 0 : i32
      %dma_wait3A_71 = arith.constant 0 : i32
      %dma_wait3A_72 = tpu.memref_slice %arg7[%run_scoped3A_23, %dma_wait3A_70, %dma_wait3A_71] : memref<2x128x128xf32, #tpu.memory_space<vmem>> -> memref<1x128x128xf32, #tpu.memory_space<vmem>>
      %dma_wait3A_73 = tpu.memref_squeeze %dma_wait3A_72 : memref<1x128x128xf32, #tpu.memory_space<vmem>> -> memref<128x128xf32, #tpu.memory_space<vmem>>
      %dma_wait3A_74 = arith.constant 0 : i32
      %dma_wait3A_75 = arith.constant 0 : i32
      %dma_wait3A_76 = tpu.memref_slice %dma_wait3A_73[%dma_wait3A_74, %dma_wait3A_75] : memref<128x128xf32, #tpu.memory_space<vmem>> -> memref<120x128xf32, #tpu.memory_space<vmem>>
      tpu.wait_dma2 semaphore(%run_scoped3A_42 : memref<!tpu.dma_semaphore, #tpu.memory_space<semaphore_mem>>) src(%dma_wait3A_76 : memref<120x128xf32, #tpu.memory_space<vmem>>) dst(%dma_wait3A_69 : memref<120x128xf32, #tpu.memory_space<vmem_shared>>)
      tpu.yield
    }) : () -> ()
    %barrier3A = arith.constant 0 : index
    tpu.barrier barrier_id(%barrier3A)
    %mul3A_24 = arith.constant 80 : i32
    %mul3A_25 = arith.muli %add3A, %mul3A_24 : i32
    %mul3A_26 = arith.constant 128 : i32
    %mul3A_27 = arith.muli %mul3A_25, %mul3A_26 : i32
    %eq3A = arith.constant 31 : i32
    %eq3A_28 = arith.cmpi eq, %add3A, %eq3A : i32
    %jit3A = arith.constant 1 : i32
    %jit3A_29 = arith.constant 4 : i32
    %select_n3A = arith.select %eq3A_28, %jit3A, %jit3A_29 : i32
    %while3A = arith.constant 0 : i32
    %while3A_30 = arith.constant 0 : i32
    %while3A_31 = arith.constant 1 : i32
    %while3A_32 = arith.constant 0 : i32
    %while3A_33 = arith.subi %select_n3A, %while3A_32 : i32
    %while3A_34 = arith.addi %while3A_32, %while3A_33 : i32
    %while3A_35 = arith.constant 1 : i32
    %while3A_36 = arith.divsi %while3A_33, %while3A_35 : i32
    %while3A_37 = arith.muli %while3A_36, %while3A_35 : i32
    %while3A_38 = arith.addi %while3A_32, %while3A_37 : i32
    %while3A_39 = arith.constant 1 : i32
    scf.for %while3A_42 = %while3A_32 to %while3A_38 step %while3A_39  : i32 {
      %mul3A_43 = arith.constant 2560 : i32
      %mul3A_44 = arith.muli %while3A_42, %mul3A_43 : i32
      %add3A_45 = arith.addi %mul3A_27, %mul3A_44 : i32
      "tpu.region"() ({
        %run_scoped3A_101 = tpu.sem_alloc : memref<!tpu.dma_semaphore, #tpu.memory_space<semaphore_mem>>
        %dma_start3A_102 = tpu.memref_slice %arg3[%add3A_45] : memref<640000xi32, #tpu.memory_space<hbm>> -> memref<2560xi32, #tpu.memory_space<hbm>>
        %dma_start3A_103 = tpu.memref_slice %arg3[%add3A_45] : memref<640000xi32, #tpu.memory_space<hbm>> -> memref<2560xi32, #tpu.memory_space<hbm>>
        tpu.enqueue_dma source(%dma_start3A_103 : memref<2560xi32, #tpu.memory_space<hbm>>) target(%arg5 : memref<2560xi32, #tpu.memory_space<vmem>>) target_semaphore(%run_scoped3A_101 : memref<!tpu.dma_semaphore, #tpu.memory_space<semaphore_mem>>)
        %dma_wait3A_104 = tpu.memref_slice %arg3[%add3A_45] : memref<640000xi32, #tpu.memory_space<hbm>> -> memref<2560xi32, #tpu.memory_space<hbm>>
        %dma_wait3A_105 = tpu.memref_slice %arg3[%add3A_45] : memref<640000xi32, #tpu.memory_space<hbm>> -> memref<2560xi32, #tpu.memory_space<hbm>>
        tpu.wait_dma2 semaphore(%run_scoped3A_101 : memref<!tpu.dma_semaphore, #tpu.memory_space<semaphore_mem>>) src(%dma_wait3A_105 : memref<2560xi32, #tpu.memory_space<hbm>>) dst(%arg5 : memref<2560xi32, #tpu.memory_space<vmem>>)
        tpu.yield
      }) : () -> ()
      %add3A_46 = arith.constant 320000 : i32
      %add3A_47 = arith.addi %add3A_46, %mul3A_27 : i32
      %mul3A_48 = arith.constant 2560 : i32
      %mul3A_49 = arith.muli %while3A_42, %mul3A_48 : i32
      %add3A_50 = arith.addi %add3A_47, %mul3A_49 : i32
      "tpu.region"() ({
        %run_scoped3A_101 = tpu.sem_alloc : memref<!tpu.dma_semaphore, #tpu.memory_space<semaphore_mem>>
        %dma_start3A_102 = tpu.memref_slice %arg3[%add3A_50] : memref<640000xi32, #tpu.memory_space<hbm>> -> memref<2560xi32, #tpu.memory_space<hbm>>
        %dma_start3A_103 = tpu.memref_slice %arg3[%add3A_50] : memref<640000xi32, #tpu.memory_space<hbm>> -> memref<2560xi32, #tpu.memory_space<hbm>>
        tpu.enqueue_dma source(%dma_start3A_103 : memref<2560xi32, #tpu.memory_space<hbm>>) target(%arg6 : memref<2560xi32, #tpu.memory_space<vmem>>) target_semaphore(%run_scoped3A_101 : memref<!tpu.dma_semaphore, #tpu.memory_space<semaphore_mem>>)
        %dma_wait3A_104 = tpu.memref_slice %arg3[%add3A_50] : memref<640000xi32, #tpu.memory_space<hbm>> -> memref<2560xi32, #tpu.memory_space<hbm>>
        %dma_wait3A_105 = tpu.memref_slice %arg3[%add3A_50] : memref<640000xi32, #tpu.memory_space<hbm>> -> memref<2560xi32, #tpu.memory_space<hbm>>
        tpu.wait_dma2 semaphore(%run_scoped3A_101 : memref<!tpu.dma_semaphore, #tpu.memory_space<semaphore_mem>>) src(%dma_wait3A_105 : memref<2560xi32, #tpu.memory_space<hbm>>) dst(%arg6 : memref<2560xi32, #tpu.memory_space<vmem>>)
        tpu.yield
      }) : () -> ()
      %dma_start3A = arith.constant 0 : i32
      %dma_start3A_51 = arith.constant 0 : i32
      %dma_start3A_52 = tpu.memref_slice %arg7[%while3A_30, %dma_start3A, %dma_start3A_51] : memref<2x128x128xf32, #tpu.memory_space<vmem>> -> memref<1x128x128xf32, #tpu.memory_space<vmem>>
      %dma_start3A_53 = tpu.memref_squeeze %dma_start3A_52 : memref<1x128x128xf32, #tpu.memory_space<vmem>> -> memref<128x128xf32, #tpu.memory_space<vmem>>
      %dma_start3A_54 = arith.constant 0 : i32
      %dma_start3A_55 = tpu.memref_slice %arg5[%dma_start3A_54] : memref<2560xi32, #tpu.memory_space<vmem>> -> memref<128xi32, #tpu.memory_space<vmem>>
      %dma_start3A_56 = arith.constant 0 : i32
      %dma_start3A_57 = arith.constant 0 : i32
      %dma_start3A_58 = tpu.memref_slice %arg2[%dma_start3A_56, %dma_start3A_57] : memref<10000x128xf32, #tpu.memory_space<hbm>> -> memref<10000x128xf32, #tpu.memory_space<hbm>>
      tpu.enqueue_indirect_dma source(%dma_start3A_58 : memref<10000x128xf32, #tpu.memory_space<hbm>>) target(%dma_start3A_53 : memref<128x128xf32, #tpu.memory_space<vmem>>) offsets(%dma_start3A_55 : memref<128xi32, #tpu.memory_space<vmem>>) semaphore(%arg9 : memref<!tpu.dma_semaphore, #tpu.memory_space<semaphore_mem>>)
      %scan3A_59 = arith.constant 0 : i32
      %scan3A_60 = arith.constant 0 : i32
      %scan3A_61 = arith.constant 9 : i32
      %scan3A_62 = arith.addi %scan3A_60, %scan3A_61 : i32
      %scan3A_63 = arith.constant 1 : i32
      scf.for %scan3A_101 = %scan3A_60 to %scan3A_62 step %scan3A_63  : i32 {
        %mul3A_102 = arith.constant 2 : i32
        %mul3A_103 = arith.muli %mul3A_102, %scan3A_101 : i32
        %add3A_104 = arith.constant 1 : i32
        %add3A_105 = arith.addi %mul3A_103, %add3A_104 : i32
        %mul3A_106 = arith.constant 128 : i32
        %mul3A_107 = arith.muli %add3A_105, %mul3A_106 : i32
        %dma_start3A_108 = arith.constant 0 : i32
        %dma_start3A_109 = arith.constant 0 : i32
        %dma_start3A_110 = tpu.memref_slice %arg7[%while3A_31, %dma_start3A_108, %dma_start3A_109] : memref<2x128x128xf32, #tpu.memory_space<vmem>> -> memref<1x128x128xf32, #tpu.memory_space<vmem>>
        %dma_start3A_111 = tpu.memref_squeeze %dma_start3A_110 : memref<1x128x128xf32, #tpu.memory_space<vmem>> -> memref<128x128xf32, #tpu.memory_space<vmem>>
        %dma_start3A_112 = tpu.memref_slice %arg5[%mul3A_107] : memref<2560xi32, #tpu.memory_space<vmem>> -> memref<128xi32, #tpu.memory_space<vmem>>
        %dma_start3A_113 = arith.constant 0 : i32
        %dma_start3A_114 = arith.constant 0 : i32
        %dma_start3A_115 = tpu.memref_slice %arg2[%dma_start3A_113, %dma_start3A_114] : memref<10000x128xf32, #tpu.memory_space<hbm>> -> memref<10000x128xf32, #tpu.memory_space<hbm>>
        tpu.enqueue_indirect_dma source(%dma_start3A_115 : memref<10000x128xf32, #tpu.memory_space<hbm>>) target(%dma_start3A_111 : memref<128x128xf32, #tpu.memory_space<vmem>>) offsets(%dma_start3A_112 : memref<128xi32, #tpu.memory_space<vmem>>) semaphore(%arg10 : memref<!tpu.dma_semaphore, #tpu.memory_space<semaphore_mem>>)
        %dma_wait3A_116 = arith.constant 0 : i32
        %dma_wait3A_117 = arith.constant 0 : i32
        %dma_wait3A_118 = tpu.memref_slice %arg7[%while3A_30, %dma_wait3A_116, %dma_wait3A_117] : memref<2x128x128xf32, #tpu.memory_space<vmem>> -> memref<1x128x128xf32, #tpu.memory_space<vmem>>
        %dma_wait3A_119 = tpu.memref_squeeze %dma_wait3A_118 : memref<1x128x128xf32, #tpu.memory_space<vmem>> -> memref<128x128xf32, #tpu.memory_space<vmem>>
        %dma_wait3A_120 = arith.constant 0 : i32
        %dma_wait3A_121 = arith.constant 0 : i32
        %dma_wait3A_122 = tpu.memref_slice %arg2[%dma_wait3A_120, %dma_wait3A_121] : memref<10000x128xf32, #tpu.memory_space<hbm>> -> memref<128x128xf32, #tpu.memory_space<hbm>>
        %dma_wait3A_123 = arith.constant 0 : i32
        %dma_wait3A_124 = arith.constant 0 : i32
        %dma_wait3A_125 = tpu.memref_slice %arg7[%while3A_30, %dma_wait3A_123, %dma_wait3A_124] : memref<2x128x128xf32, #tpu.memory_space<vmem>> -> memref<1x128x128xf32, #tpu.memory_space<vmem>>
        %dma_wait3A_126 = tpu.memref_squeeze %dma_wait3A_125 : memref<1x128x128xf32, #tpu.memory_space<vmem>> -> memref<128x128xf32, #tpu.memory_space<vmem>>
        %dma_wait3A_127 = arith.constant 0 : i32
        %dma_wait3A_128 = arith.constant 0 : i32
        %dma_wait3A_129 = tpu.memref_slice %arg2[%dma_wait3A_127, %dma_wait3A_128] : memref<10000x128xf32, #tpu.memory_space<hbm>> -> memref<128x128xf32, #tpu.memory_space<hbm>>
        tpu.wait_dma2 semaphore(%arg9 : memref<!tpu.dma_semaphore, #tpu.memory_space<semaphore_mem>>) src(%dma_wait3A_129 : memref<128x128xf32, #tpu.memory_space<hbm>>) dst(%dma_wait3A_126 : memref<128x128xf32, #tpu.memory_space<vmem>>)
        %mul3A_130 = arith.constant 2 : i32
        %mul3A_131 = arith.muli %mul3A_130, %scan3A_101 : i32
        %mul3A_132 = arith.constant 128 : i32
        %mul3A_133 = arith.muli %mul3A_131, %mul3A_132 : i32
        "tpu.region"() ({
          %run_scoped3A_168 = tpu.sem_alloc : memref<!tpu.dma_semaphore, #tpu.memory_space<semaphore_mem>>
          %dma_start3A_169 = arith.constant 0 : i32
          %dma_start3A_170 = arith.constant 0 : i32
          %dma_start3A_171 = tpu.memref_slice %arg7[%while3A_30, %dma_start3A_169, %dma_start3A_170] : memref<2x128x128xf32, #tpu.memory_space<vmem>> -> memref<1x128x128xf32, #tpu.memory_space<vmem>>
          %dma_start3A_172 = tpu.memref_squeeze %dma_start3A_171 : memref<1x128x128xf32, #tpu.memory_space<vmem>> -> memref<128x128xf32, #tpu.memory_space<vmem>>
          %dma_start3A_173 = tpu.memref_slice %arg6[%mul3A_133] : memref<2560xi32, #tpu.memory_space<vmem>> -> memref<128xi32, #tpu.memory_space<vmem>>
          %dma_start3A_174 = arith.constant 0 : i32
          %dma_start3A_175 = arith.constant 0 : i32
          %dma_start3A_176 = tpu.memref_slice %arg8[%dma_start3A_174, %dma_start3A_175] : memref<10112x128xf32, #tpu.memory_space<vmem_shared>> -> memref<10112x128xf32, #tpu.memory_space<vmem_shared>>
          tpu.enqueue_indirect_dma source(%dma_start3A_172 : memref<128x128xf32, #tpu.memory_space<vmem>>) target(%dma_start3A_176 : memref<10112x128xf32, #tpu.memory_space<vmem_shared>>) offsets(%dma_start3A_173 : memref<128xi32, #tpu.memory_space<vmem>>) semaphore(%run_scoped3A_168 : memref<!tpu.dma_semaphore, #tpu.memory_space<semaphore_mem>>) {add = true}
          %dma_wait3A_177 = arith.constant 0 : i32
          %dma_wait3A_178 = arith.constant 0 : i32
          %dma_wait3A_179 = tpu.memref_slice %arg7[%while3A_30, %dma_wait3A_177, %dma_wait3A_178] : memref<2x128x128xf32, #tpu.memory_space<vmem>> -> memref<1x128x128xf32, #tpu.memory_space<vmem>>
          %dma_wait3A_180 = tpu.memref_squeeze %dma_wait3A_179 : memref<1x128x128xf32, #tpu.memory_space<vmem>> -> memref<128x128xf32, #tpu.memory_space<vmem>>
          %dma_wait3A_181 = tpu.memref_slice %arg6[%mul3A_133] : memref<2560xi32, #tpu.memory_space<vmem>> -> memref<128xi32, #tpu.memory_space<vmem>>
          %dma_wait3A_182 = arith.constant 0 : i32
          %dma_wait3A_183 = arith.constant 0 : i32
          %dma_wait3A_184 = tpu.memref_slice %arg8[%dma_wait3A_182, %dma_wait3A_183] : memref<10112x128xf32, #tpu.memory_space<vmem_shared>> -> memref<10112x128xf32, #tpu.memory_space<vmem_shared>>
          tpu.wait_indirect_dma semaphore(%run_scoped3A_168 : memref<!tpu.dma_semaphore, #tpu.memory_space<semaphore_mem>>) src(%dma_wait3A_180 : memref<128x128xf32, #tpu.memory_space<vmem>>) dst(%dma_wait3A_184 : memref<10112x128xf32, #tpu.memory_space<vmem_shared>>)
          tpu.yield
        }) : () -> ()
        %mul3A_134 = arith.constant 2 : i32
        %mul3A_135 = arith.muli %mul3A_134, %scan3A_101 : i32
        %add3A_136 = arith.constant 2 : i32
        %add3A_137 = arith.addi %mul3A_135, %add3A_136 : i32
        %mul3A_138 = arith.constant 128 : i32
        %mul3A_139 = arith.muli %add3A_137, %mul3A_138 : i32
        %dma_start3A_140 = arith.constant 0 : i32
        %dma_start3A_141 = arith.constant 0 : i32
        %dma_start3A_142 = tpu.memref_slice %arg7[%while3A_30, %dma_start3A_140, %dma_start3A_141] : memref<2x128x128xf32, #tpu.memory_space<vmem>> -> memref<1x128x128xf32, #tpu.memory_space<vmem>>
        %dma_start3A_143 = tpu.memref_squeeze %dma_start3A_142 : memref<1x128x128xf32, #tpu.memory_space<vmem>> -> memref<128x128xf32, #tpu.memory_space<vmem>>
        %dma_start3A_144 = tpu.memref_slice %arg5[%mul3A_139] : memref<2560xi32, #tpu.memory_space<vmem>> -> memref<128xi32, #tpu.memory_space<vmem>>
        %dma_start3A_145 = arith.constant 0 : i32
        %dma_start3A_146 = arith.constant 0 : i32
        %dma_start3A_147 = tpu.memref_slice %arg2[%dma_start3A_145, %dma_start3A_146] : memref<10000x128xf32, #tpu.memory_space<hbm>> -> memref<10000x128xf32, #tpu.memory_space<hbm>>
        tpu.enqueue_indirect_dma source(%dma_start3A_147 : memref<10000x128xf32, #tpu.memory_space<hbm>>) target(%dma_start3A_143 : memref<128x128xf32, #tpu.memory_space<vmem>>) offsets(%dma_start3A_144 : memref<128xi32, #tpu.memory_space<vmem>>) semaphore(%arg9 : memref<!tpu.dma_semaphore, #tpu.memory_space<semaphore_mem>>)
        %dma_wait3A_148 = arith.constant 0 : i32
        %dma_wait3A_149 = arith.constant 0 : i32
        %dma_wait3A_150 = tpu.memref_slice %arg7[%while3A_31, %dma_wait3A_148, %dma_wait3A_149] : memref<2x128x128xf32, #tpu.memory_space<vmem>> -> memref<1x128x128xf32, #tpu.memory_space<vmem>>
        %dma_wait3A_151 = tpu.memref_squeeze %dma_wait3A_150 : memref<1x128x128xf32, #tpu.memory_space<vmem>> -> memref<128x128xf32, #tpu.memory_space<vmem>>
        %dma_wait3A_152 = arith.constant 0 : i32
        %dma_wait3A_153 = arith.constant 0 : i32
        %dma_wait3A_154 = tpu.memref_slice %arg2[%dma_wait3A_152, %dma_wait3A_153] : memref<10000x128xf32, #tpu.memory_space<hbm>> -> memref<128x128xf32, #tpu.memory_space<hbm>>
        %dma_wait3A_155 = arith.constant 0 : i32
        %dma_wait3A_156 = arith.constant 0 : i32
        %dma_wait3A_157 = tpu.memref_slice %arg7[%while3A_31, %dma_wait3A_155, %dma_wait3A_156] : memref<2x128x128xf32, #tpu.memory_space<vmem>> -> memref<1x128x128xf32, #tpu.memory_space<vmem>>
        %dma_wait3A_158 = tpu.memref_squeeze %dma_wait3A_157 : memref<1x128x128xf32, #tpu.memory_space<vmem>> -> memref<128x128xf32, #tpu.memory_space<vmem>>
        %dma_wait3A_159 = arith.constant 0 : i32
        %dma_wait3A_160 = arith.constant 0 : i32
        %dma_wait3A_161 = tpu.memref_slice %arg2[%dma_wait3A_159, %dma_wait3A_160] : memref<10000x128xf32, #tpu.memory_space<hbm>> -> memref<128x128xf32, #tpu.memory_space<hbm>>
        tpu.wait_dma2 semaphore(%arg10 : memref<!tpu.dma_semaphore, #tpu.memory_space<semaphore_mem>>) src(%dma_wait3A_161 : memref<128x128xf32, #tpu.memory_space<hbm>>) dst(%dma_wait3A_158 : memref<128x128xf32, #tpu.memory_space<vmem>>)
        %mul3A_162 = arith.constant 2 : i32
        %mul3A_163 = arith.muli %mul3A_162, %scan3A_101 : i32
        %add3A_164 = arith.constant 1 : i32
        %add3A_165 = arith.addi %mul3A_163, %add3A_164 : i32
        %mul3A_166 = arith.constant 128 : i32
        %mul3A_167 = arith.muli %add3A_165, %mul3A_166 : i32
        "tpu.region"() ({
          %run_scoped3A_168 = tpu.sem_alloc : memref<!tpu.dma_semaphore, #tpu.memory_space<semaphore_mem>>
          %dma_start3A_169 = arith.constant 0 : i32
          %dma_start3A_170 = arith.constant 0 : i32
          %dma_start3A_171 = tpu.memref_slice %arg7[%while3A_31, %dma_start3A_169, %dma_start3A_170] : memref<2x128x128xf32, #tpu.memory_space<vmem>> -> memref<1x128x128xf32, #tpu.memory_space<vmem>>
          %dma_start3A_172 = tpu.memref_squeeze %dma_start3A_171 : memref<1x128x128xf32, #tpu.memory_space<vmem>> -> memref<128x128xf32, #tpu.memory_space<vmem>>
          %dma_start3A_173 = tpu.memref_slice %arg6[%mul3A_167] : memref<2560xi32, #tpu.memory_space<vmem>> -> memref<128xi32, #tpu.memory_space<vmem>>
          %dma_start3A_174 = arith.constant 0 : i32
          %dma_start3A_175 = arith.constant 0 : i32
          %dma_start3A_176 = tpu.memref_slice %arg8[%dma_start3A_174, %dma_start3A_175] : memref<10112x128xf32, #tpu.memory_space<vmem_shared>> -> memref<10112x128xf32, #tpu.memory_space<vmem_shared>>
          tpu.enqueue_indirect_dma source(%dma_start3A_172 : memref<128x128xf32, #tpu.memory_space<vmem>>) target(%dma_start3A_176 : memref<10112x128xf32, #tpu.memory_space<vmem_shared>>) offsets(%dma_start3A_173 : memref<128xi32, #tpu.memory_space<vmem>>) semaphore(%run_scoped3A_168 : memref<!tpu.dma_semaphore, #tpu.memory_space<semaphore_mem>>) {add = true}
          %dma_wait3A_177 = arith.constant 0 : i32
          %dma_wait3A_178 = arith.constant 0 : i32
          %dma_wait3A_179 = tpu.memref_slice %arg7[%while3A_31, %dma_wait3A_177, %dma_wait3A_178] : memref<2x128x128xf32, #tpu.memory_space<vmem>> -> memref<1x128x128xf32, #tpu.memory_space<vmem>>
          %dma_wait3A_180 = tpu.memref_squeeze %dma_wait3A_179 : memref<1x128x128xf32, #tpu.memory_space<vmem>> -> memref<128x128xf32, #tpu.memory_space<vmem>>
          %dma_wait3A_181 = tpu.memref_slice %arg6[%mul3A_167] : memref<2560xi32, #tpu.memory_space<vmem>> -> memref<128xi32, #tpu.memory_space<vmem>>
          %dma_wait3A_182 = arith.constant 0 : i32
          %dma_wait3A_183 = arith.constant 0 : i32
          %dma_wait3A_184 = tpu.memref_slice %arg8[%dma_wait3A_182, %dma_wait3A_183] : memref<10112x128xf32, #tpu.memory_space<vmem_shared>> -> memref<10112x128xf32, #tpu.memory_space<vmem_shared>>
          tpu.wait_indirect_dma semaphore(%run_scoped3A_168 : memref<!tpu.dma_semaphore, #tpu.memory_space<semaphore_mem>>) src(%dma_wait3A_180 : memref<128x128xf32, #tpu.memory_space<vmem>>) dst(%dma_wait3A_184 : memref<10112x128xf32, #tpu.memory_space<vmem_shared>>)
          tpu.yield
        }) : () -> ()
      }
      %scan3A_64 = arith.constant 9 : i32
      %dma_start3A_65 = arith.constant 0 : i32
      %dma_start3A_66 = arith.constant 0 : i32
      %dma_start3A_67 = tpu.memref_slice %arg7[%while3A_31, %dma_start3A_65, %dma_start3A_66] : memref<2x128x128xf32, #tpu.memory_space<vmem>> -> memref<1x128x128xf32, #tpu.memory_space<vmem>>
      %dma_start3A_68 = tpu.memref_squeeze %dma_start3A_67 : memref<1x128x128xf32, #tpu.memory_space<vmem>> -> memref<128x128xf32, #tpu.memory_space<vmem>>
      %dma_start3A_69 = arith.constant 2432 : i32
      %dma_start3A_70 = tpu.memref_slice %arg5[%dma_start3A_69] : memref<2560xi32, #tpu.memory_space<vmem>> -> memref<128xi32, #tpu.memory_space<vmem>>
      %dma_start3A_71 = arith.constant 0 : i32
      %dma_start3A_72 = arith.constant 0 : i32
      %dma_start3A_73 = tpu.memref_slice %arg2[%dma_start3A_71, %dma_start3A_72] : memref<10000x128xf32, #tpu.memory_space<hbm>> -> memref<10000x128xf32, #tpu.memory_space<hbm>>
      tpu.enqueue_indirect_dma source(%dma_start3A_73 : memref<10000x128xf32, #tpu.memory_space<hbm>>) target(%dma_start3A_68 : memref<128x128xf32, #tpu.memory_space<vmem>>) offsets(%dma_start3A_70 : memref<128xi32, #tpu.memory_space<vmem>>) semaphore(%arg10 : memref<!tpu.dma_semaphore, #tpu.memory_space<semaphore_mem>>)
      %dma_wait3A = arith.constant 0 : i32
      %dma_wait3A_74 = arith.constant 0 : i32
      %dma_wait3A_75 = tpu.memref_slice %arg7[%while3A_30, %dma_wait3A, %dma_wait3A_74] : memref<2x128x128xf32, #tpu.memory_space<vmem>> -> memref<1x128x128xf32, #tpu.memory_space<vmem>>
      %dma_wait3A_76 = tpu.memref_squeeze %dma_wait3A_75 : memref<1x128x128xf32, #tpu.memory_space<vmem>> -> memref<128x128xf32, #tpu.memory_space<vmem>>
      %dma_wait3A_77 = arith.constant 0 : i32
      %dma_wait3A_78 = arith.constant 0 : i32
      %dma_wait3A_79 = tpu.memref_slice %arg2[%dma_wait3A_77, %dma_wait3A_78] : memref<10000x128xf32, #tpu.memory_space<hbm>> -> memref<128x128xf32, #tpu.memory_space<hbm>>
      %dma_wait3A_80 = arith.constant 0 : i32
      %dma_wait3A_81 = arith.constant 0 : i32
      %dma_wait3A_82 = tpu.memref_slice %arg7[%while3A_30, %dma_wait3A_80, %dma_wait3A_81] : memref<2x128x128xf32, #tpu.memory_space<vmem>> -> memref<1x128x128xf32, #tpu.memory_space<vmem>>
      %dma_wait3A_83 = tpu.memref_squeeze %dma_wait3A_82 : memref<1x128x128xf32, #tpu.memory_space<vmem>> -> memref<128x128xf32, #tpu.memory_space<vmem>>
      %dma_wait3A_84 = arith.constant 0 : i32
      %dma_wait3A_85 = arith.constant 0 : i32
      %dma_wait3A_86 = tpu.memref_slice %arg2[%dma_wait3A_84, %dma_wait3A_85] : memref<10000x128xf32, #tpu.memory_space<hbm>> -> memref<128x128xf32, #tpu.memory_space<hbm>>
      tpu.wait_dma2 semaphore(%arg9 : memref<!tpu.dma_semaphore, #tpu.memory_space<semaphore_mem>>) src(%dma_wait3A_86 : memref<128x128xf32, #tpu.memory_space<hbm>>) dst(%dma_wait3A_83 : memref<128x128xf32, #tpu.memory_space<vmem>>)
      "tpu.region"() ({
        %run_scoped3A_101 = tpu.sem_alloc : memref<!tpu.dma_semaphore, #tpu.memory_space<semaphore_mem>>
        %dma_start3A_102 = arith.constant 0 : i32
        %dma_start3A_103 = arith.constant 0 : i32
        %dma_start3A_104 = tpu.memref_slice %arg7[%while3A_30, %dma_start3A_102, %dma_start3A_103] : memref<2x128x128xf32, #tpu.memory_space<vmem>> -> memref<1x128x128xf32, #tpu.memory_space<vmem>>
        %dma_start3A_105 = tpu.memref_squeeze %dma_start3A_104 : memref<1x128x128xf32, #tpu.memory_space<vmem>> -> memref<128x128xf32, #tpu.memory_space<vmem>>
        %dma_start3A_106 = arith.constant 2304 : i32
        %dma_start3A_107 = tpu.memref_slice %arg6[%dma_start3A_106] : memref<2560xi32, #tpu.memory_space<vmem>> -> memref<128xi32, #tpu.memory_space<vmem>>
        %dma_start3A_108 = arith.constant 0 : i32
        %dma_start3A_109 = arith.constant 0 : i32
        %dma_start3A_110 = tpu.memref_slice %arg8[%dma_start3A_108, %dma_start3A_109] : memref<10112x128xf32, #tpu.memory_space<vmem_shared>> -> memref<10112x128xf32, #tpu.memory_space<vmem_shared>>
        tpu.enqueue_indirect_dma source(%dma_start3A_105 : memref<128x128xf32, #tpu.memory_space<vmem>>) target(%dma_start3A_110 : memref<10112x128xf32, #tpu.memory_space<vmem_shared>>) offsets(%dma_start3A_107 : memref<128xi32, #tpu.memory_space<vmem>>) semaphore(%run_scoped3A_101 : memref<!tpu.dma_semaphore, #tpu.memory_space<semaphore_mem>>) {add = true}
        %dma_wait3A_111 = arith.constant 0 : i32
        %dma_wait3A_112 = arith.constant 0 : i32
        %dma_wait3A_113 = tpu.memref_slice %arg7[%while3A_30, %dma_wait3A_111, %dma_wait3A_112] : memref<2x128x128xf32, #tpu.memory_space<vmem>> -> memref<1x128x128xf32, #tpu.memory_space<vmem>>
        %dma_wait3A_114 = tpu.memref_squeeze %dma_wait3A_113 : memref<1x128x128xf32, #tpu.memory_space<vmem>> -> memref<128x128xf32, #tpu.memory_space<vmem>>
        %dma_wait3A_115 = arith.constant 2304 : i32
        %dma_wait3A_116 = tpu.memref_slice %arg6[%dma_wait3A_115] : memref<2560xi32, #tpu.memory_space<vmem>> -> memref<128xi32, #tpu.memory_space<vmem>>
        %dma_wait3A_117 = arith.constant 0 : i32
        %dma_wait3A_118 = arith.constant 0 : i32
        %dma_wait3A_119 = tpu.memref_slice %arg8[%dma_wait3A_117, %dma_wait3A_118] : memref<10112x128xf32, #tpu.memory_space<vmem_shared>> -> memref<10112x128xf32, #tpu.memory_space<vmem_shared>>
        tpu.wait_indirect_dma semaphore(%run_scoped3A_101 : memref<!tpu.dma_semaphore, #tpu.memory_space<semaphore_mem>>) src(%dma_wait3A_114 : memref<128x128xf32, #tpu.memory_space<vmem>>) dst(%dma_wait3A_119 : memref<10112x128xf32, #tpu.memory_space<vmem_shared>>)
        tpu.yield
      }) : () -> ()
      %dma_wait3A_87 = arith.constant 0 : i32
      %dma_wait3A_88 = arith.constant 0 : i32
      %dma_wait3A_89 = tpu.memref_slice %arg7[%while3A_31, %dma_wait3A_87, %dma_wait3A_88] : memref<2x128x128xf32, #tpu.memory_space<vmem>> -> memref<1x128x128xf32, #tpu.memory_space<vmem>>
      %dma_wait3A_90 = tpu.memref_squeeze %dma_wait3A_89 : memref<1x128x128xf32, #tpu.memory_space<vmem>> -> memref<128x128xf32, #tpu.memory_space<vmem>>
      %dma_wait3A_91 = arith.constant 0 : i32
      %dma_wait3A_92 = arith.constant 0 : i32
      %dma_wait3A_93 = tpu.memref_slice %arg2[%dma_wait3A_91, %dma_wait3A_92] : memref<10000x128xf32, #tpu.memory_space<hbm>> -> memref<128x128xf32, #tpu.memory_space<hbm>>
      %dma_wait3A_94 = arith.constant 0 : i32
      %dma_wait3A_95 = arith.constant 0 : i32
      %dma_wait3A_96 = tpu.memref_slice %arg7[%while3A_31, %dma_wait3A_94, %dma_wait3A_95] : memref<2x128x128xf32, #tpu.memory_space<vmem>> -> memref<1x128x128xf32, #tpu.memory_space<vmem>>
      %dma_wait3A_97 = tpu.memref_squeeze %dma_wait3A_96 : memref<1x128x128xf32, #tpu.memory_space<vmem>> -> memref<128x128xf32, #tpu.memory_space<vmem>>
      %dma_wait3A_98 = arith.constant 0 : i32
      %dma_wait3A_99 = arith.constant 0 : i32
      %dma_wait3A_100 = tpu.memref_slice %arg2[%dma_wait3A_98, %dma_wait3A_99] : memref<10000x128xf32, #tpu.memory_space<hbm>> -> memref<128x128xf32, #tpu.memory_space<hbm>>
      tpu.wait_dma2 semaphore(%arg10 : memref<!tpu.dma_semaphore, #tpu.memory_space<semaphore_mem>>) src(%dma_wait3A_100 : memref<128x128xf32, #tpu.memory_space<hbm>>) dst(%dma_wait3A_97 : memref<128x128xf32, #tpu.memory_space<vmem>>)
      "tpu.region"() ({
        %run_scoped3A_101 = tpu.sem_alloc : memref<!tpu.dma_semaphore, #tpu.memory_space<semaphore_mem>>
        %dma_start3A_102 = arith.constant 0 : i32
        %dma_start3A_103 = arith.constant 0 : i32
        %dma_start3A_104 = tpu.memref_slice %arg7[%while3A_31, %dma_start3A_102, %dma_start3A_103] : memref<2x128x128xf32, #tpu.memory_space<vmem>> -> memref<1x128x128xf32, #tpu.memory_space<vmem>>
        %dma_start3A_105 = tpu.memref_squeeze %dma_start3A_104 : memref<1x128x128xf32, #tpu.memory_space<vmem>> -> memref<128x128xf32, #tpu.memory_space<vmem>>
        %dma_start3A_106 = arith.constant 2432 : i32
        %dma_start3A_107 = tpu.memref_slice %arg6[%dma_start3A_106] : memref<2560xi32, #tpu.memory_space<vmem>> -> memref<128xi32, #tpu.memory_space<vmem>>
        %dma_start3A_108 = arith.constant 0 : i32
        %dma_start3A_109 = arith.constant 0 : i32
        %dma_start3A_110 = tpu.memref_slice %arg8[%dma_start3A_108, %dma_start3A_109] : memref<10112x128xf32, #tpu.memory_space<vmem_shared>> -> memref<10112x128xf32, #tpu.memory_space<vmem_shared>>
        tpu.enqueue_indirect_dma source(%dma_start3A_105 : memref<128x128xf32, #tpu.memory_space<vmem>>) target(%dma_start3A_110 : memref<10112x128xf32, #tpu.memory_space<vmem_shared>>) offsets(%dma_start3A_107 : memref<128xi32, #tpu.memory_space<vmem>>) semaphore(%run_scoped3A_101 : memref<!tpu.dma_semaphore, #tpu.memory_space<semaphore_mem>>) {add = true}
        %dma_wait3A_111 = arith.constant 0 : i32
        %dma_wait3A_112 = arith.constant 0 : i32
        %dma_wait3A_113 = tpu.memref_slice %arg7[%while3A_31, %dma_wait3A_111, %dma_wait3A_112] : memref<2x128x128xf32, #tpu.memory_space<vmem>> -> memref<1x128x128xf32, #tpu.memory_space<vmem>>
        %dma_wait3A_114 = tpu.memref_squeeze %dma_wait3A_113 : memref<1x128x128xf32, #tpu.memory_space<vmem>> -> memref<128x128xf32, #tpu.memory_space<vmem>>
        %dma_wait3A_115 = arith.constant 2432 : i32
        %dma_wait3A_116 = tpu.memref_slice %arg6[%dma_wait3A_115] : memref<2560xi32, #tpu.memory_space<vmem>> -> memref<128xi32, #tpu.memory_space<vmem>>
        %dma_wait3A_117 = arith.constant 0 : i32
        %dma_wait3A_118 = arith.constant 0 : i32
        %dma_wait3A_119 = tpu.memref_slice %arg8[%dma_wait3A_117, %dma_wait3A_118] : memref<10112x128xf32, #tpu.memory_space<vmem_shared>> -> memref<10112x128xf32, #tpu.memory_space<vmem_shared>>
        tpu.wait_indirect_dma semaphore(%run_scoped3A_101 : memref<!tpu.dma_semaphore, #tpu.memory_space<semaphore_mem>>) src(%dma_wait3A_114 : memref<128x128xf32, #tpu.memory_space<vmem>>) dst(%dma_wait3A_119 : memref<10112x128xf32, #tpu.memory_space<vmem_shared>>)
        tpu.yield
      }) : () -> ()
    }
    %while3A_40 = arith.constant 1 : i32
    scf.for %while3A_42 = %while3A_38 to %while3A_34 step %while3A_40  : i32 {
      %mul3A_43 = arith.constant 2560 : i32
      %mul3A_44 = arith.muli %while3A_42, %mul3A_43 : i32
      %add3A_45 = arith.addi %mul3A_27, %mul3A_44 : i32
      "tpu.region"() ({
        %run_scoped3A_101 = tpu.sem_alloc : memref<!tpu.dma_semaphore, #tpu.memory_space<semaphore_mem>>
        %dma_start3A_102 = tpu.memref_slice %arg3[%add3A_45] : memref<640000xi32, #tpu.memory_space<hbm>> -> memref<2560xi32, #tpu.memory_space<hbm>>
        %dma_start3A_103 = tpu.memref_slice %arg3[%add3A_45] : memref<640000xi32, #tpu.memory_space<hbm>> -> memref<2560xi32, #tpu.memory_space<hbm>>
        tpu.enqueue_dma source(%dma_start3A_103 : memref<2560xi32, #tpu.memory_space<hbm>>) target(%arg5 : memref<2560xi32, #tpu.memory_space<vmem>>) target_semaphore(%run_scoped3A_101 : memref<!tpu.dma_semaphore, #tpu.memory_space<semaphore_mem>>)
        %dma_wait3A_104 = tpu.memref_slice %arg3[%add3A_45] : memref<640000xi32, #tpu.memory_space<hbm>> -> memref<2560xi32, #tpu.memory_space<hbm>>
        %dma_wait3A_105 = tpu.memref_slice %arg3[%add3A_45] : memref<640000xi32, #tpu.memory_space<hbm>> -> memref<2560xi32, #tpu.memory_space<hbm>>
        tpu.wait_dma2 semaphore(%run_scoped3A_101 : memref<!tpu.dma_semaphore, #tpu.memory_space<semaphore_mem>>) src(%dma_wait3A_105 : memref<2560xi32, #tpu.memory_space<hbm>>) dst(%arg5 : memref<2560xi32, #tpu.memory_space<vmem>>)
        tpu.yield
      }) : () -> ()
      %add3A_46 = arith.constant 320000 : i32
      %add3A_47 = arith.addi %add3A_46, %mul3A_27 : i32
      %mul3A_48 = arith.constant 2560 : i32
      %mul3A_49 = arith.muli %while3A_42, %mul3A_48 : i32
      %add3A_50 = arith.addi %add3A_47, %mul3A_49 : i32
      "tpu.region"() ({
        %run_scoped3A_101 = tpu.sem_alloc : memref<!tpu.dma_semaphore, #tpu.memory_space<semaphore_mem>>
        %dma_start3A_102 = tpu.memref_slice %arg3[%add3A_50] : memref<640000xi32, #tpu.memory_space<hbm>> -> memref<2560xi32, #tpu.memory_space<hbm>>
        %dma_start3A_103 = tpu.memref_slice %arg3[%add3A_50] : memref<640000xi32, #tpu.memory_space<hbm>> -> memref<2560xi32, #tpu.memory_space<hbm>>
        tpu.enqueue_dma source(%dma_start3A_103 : memref<2560xi32, #tpu.memory_space<hbm>>) target(%arg6 : memref<2560xi32, #tpu.memory_space<vmem>>) target_semaphore(%run_scoped3A_101 : memref<!tpu.dma_semaphore, #tpu.memory_space<semaphore_mem>>)
        %dma_wait3A_104 = tpu.memref_slice %arg3[%add3A_50] : memref<640000xi32, #tpu.memory_space<hbm>> -> memref<2560xi32, #tpu.memory_space<hbm>>
        %dma_wait3A_105 = tpu.memref_slice %arg3[%add3A_50] : memref<640000xi32, #tpu.memory_space<hbm>> -> memref<2560xi32, #tpu.memory_space<hbm>>
        tpu.wait_dma2 semaphore(%run_scoped3A_101 : memref<!tpu.dma_semaphore, #tpu.memory_space<semaphore_mem>>) src(%dma_wait3A_105 : memref<2560xi32, #tpu.memory_space<hbm>>) dst(%arg6 : memref<2560xi32, #tpu.memory_space<vmem>>)
        tpu.yield
      }) : () -> ()
      %dma_start3A = arith.constant 0 : i32
      %dma_start3A_51 = arith.constant 0 : i32
      %dma_start3A_52 = tpu.memref_slice %arg7[%while3A_30, %dma_start3A, %dma_start3A_51] : memref<2x128x128xf32, #tpu.memory_space<vmem>> -> memref<1x128x128xf32, #tpu.memory_space<vmem>>
      %dma_start3A_53 = tpu.memref_squeeze %dma_start3A_52 : memref<1x128x128xf32, #tpu.memory_space<vmem>> -> memref<128x128xf32, #tpu.memory_space<vmem>>
      %dma_start3A_54 = arith.constant 0 : i32
      %dma_start3A_55 = tpu.memref_slice %arg5[%dma_start3A_54] : memref<2560xi32, #tpu.memory_space<vmem>> -> memref<128xi32, #tpu.memory_space<vmem>>
      %dma_start3A_56 = arith.constant 0 : i32
      %dma_start3A_57 = arith.constant 0 : i32
      %dma_start3A_58 = tpu.memref_slice %arg2[%dma_start3A_56, %dma_start3A_57] : memref<10000x128xf32, #tpu.memory_space<hbm>> -> memref<10000x128xf32, #tpu.memory_space<hbm>>
      tpu.enqueue_indirect_dma source(%dma_start3A_58 : memref<10000x128xf32, #tpu.memory_space<hbm>>) target(%dma_start3A_53 : memref<128x128xf32, #tpu.memory_space<vmem>>) offsets(%dma_start3A_55 : memref<128xi32, #tpu.memory_space<vmem>>) semaphore(%arg9 : memref<!tpu.dma_semaphore, #tpu.memory_space<semaphore_mem>>)
      %scan3A_59 = arith.constant 0 : i32
      %scan3A_60 = arith.constant 0 : i32
      %scan3A_61 = arith.constant 9 : i32
      %scan3A_62 = arith.addi %scan3A_60, %scan3A_61 : i32
      %scan3A_63 = arith.constant 1 : i32
      scf.for %scan3A_101 = %scan3A_60 to %scan3A_62 step %scan3A_63  : i32 {
        %mul3A_102 = arith.constant 2 : i32
        %mul3A_103 = arith.muli %mul3A_102, %scan3A_101 : i32
        %add3A_104 = arith.constant 1 : i32
        %add3A_105 = arith.addi %mul3A_103, %add3A_104 : i32
        %mul3A_106 = arith.constant 128 : i32
        %mul3A_107 = arith.muli %add3A_105, %mul3A_106 : i32
        %dma_start3A_108 = arith.constant 0 : i32
        %dma_start3A_109 = arith.constant 0 : i32
        %dma_start3A_110 = tpu.memref_slice %arg7[%while3A_31, %dma_start3A_108, %dma_start3A_109] : memref<2x128x128xf32, #tpu.memory_space<vmem>> -> memref<1x128x128xf32, #tpu.memory_space<vmem>>
        %dma_start3A_111 = tpu.memref_squeeze %dma_start3A_110 : memref<1x128x128xf32, #tpu.memory_space<vmem>> -> memref<128x128xf32, #tpu.memory_space<vmem>>
        %dma_start3A_112 = tpu.memref_slice %arg5[%mul3A_107] : memref<2560xi32, #tpu.memory_space<vmem>> -> memref<128xi32, #tpu.memory_space<vmem>>
        %dma_start3A_113 = arith.constant 0 : i32
        %dma_start3A_114 = arith.constant 0 : i32
        %dma_start3A_115 = tpu.memref_slice %arg2[%dma_start3A_113, %dma_start3A_114] : memref<10000x128xf32, #tpu.memory_space<hbm>> -> memref<10000x128xf32, #tpu.memory_space<hbm>>
        tpu.enqueue_indirect_dma source(%dma_start3A_115 : memref<10000x128xf32, #tpu.memory_space<hbm>>) target(%dma_start3A_111 : memref<128x128xf32, #tpu.memory_space<vmem>>) offsets(%dma_start3A_112 : memref<128xi32, #tpu.memory_space<vmem>>) semaphore(%arg10 : memref<!tpu.dma_semaphore, #tpu.memory_space<semaphore_mem>>)
        %dma_wait3A_116 = arith.constant 0 : i32
        %dma_wait3A_117 = arith.constant 0 : i32
        %dma_wait3A_118 = tpu.memref_slice %arg7[%while3A_30, %dma_wait3A_116, %dma_wait3A_117] : memref<2x128x128xf32, #tpu.memory_space<vmem>> -> memref<1x128x128xf32, #tpu.memory_space<vmem>>
        %dma_wait3A_119 = tpu.memref_squeeze %dma_wait3A_118 : memref<1x128x128xf32, #tpu.memory_space<vmem>> -> memref<128x128xf32, #tpu.memory_space<vmem>>
        %dma_wait3A_120 = arith.constant 0 : i32
        %dma_wait3A_121 = arith.constant 0 : i32
        %dma_wait3A_122 = tpu.memref_slice %arg2[%dma_wait3A_120, %dma_wait3A_121] : memref<10000x128xf32, #tpu.memory_space<hbm>> -> memref<128x128xf32, #tpu.memory_space<hbm>>
        %dma_wait3A_123 = arith.constant 0 : i32
        %dma_wait3A_124 = arith.constant 0 : i32
        %dma_wait3A_125 = tpu.memref_slice %arg7[%while3A_30, %dma_wait3A_123, %dma_wait3A_124] : memref<2x128x128xf32, #tpu.memory_space<vmem>> -> memref<1x128x128xf32, #tpu.memory_space<vmem>>
        %dma_wait3A_126 = tpu.memref_squeeze %dma_wait3A_125 : memref<1x128x128xf32, #tpu.memory_space<vmem>> -> memref<128x128xf32, #tpu.memory_space<vmem>>
        %dma_wait3A_127 = arith.constant 0 : i32
        %dma_wait3A_128 = arith.constant 0 : i32
        %dma_wait3A_129 = tpu.memref_slice %arg2[%dma_wait3A_127, %dma_wait3A_128] : memref<10000x128xf32, #tpu.memory_space<hbm>> -> memref<128x128xf32, #tpu.memory_space<hbm>>
        tpu.wait_dma2 semaphore(%arg9 : memref<!tpu.dma_semaphore, #tpu.memory_space<semaphore_mem>>) src(%dma_wait3A_129 : memref<128x128xf32, #tpu.memory_space<hbm>>) dst(%dma_wait3A_126 : memref<128x128xf32, #tpu.memory_space<vmem>>)
        %mul3A_130 = arith.constant 2 : i32
        %mul3A_131 = arith.muli %mul3A_130, %scan3A_101 : i32
        %mul3A_132 = arith.constant 128 : i32
        %mul3A_133 = arith.muli %mul3A_131, %mul3A_132 : i32
        "tpu.region"() ({
          %run_scoped3A_168 = tpu.sem_alloc : memref<!tpu.dma_semaphore, #tpu.memory_space<semaphore_mem>>
          %dma_start3A_169 = arith.constant 0 : i32
          %dma_start3A_170 = arith.constant 0 : i32
          %dma_start3A_171 = tpu.memref_slice %arg7[%while3A_30, %dma_start3A_169, %dma_start3A_170] : memref<2x128x128xf32, #tpu.memory_space<vmem>> -> memref<1x128x128xf32, #tpu.memory_space<vmem>>
          %dma_start3A_172 = tpu.memref_squeeze %dma_start3A_171 : memref<1x128x128xf32, #tpu.memory_space<vmem>> -> memref<128x128xf32, #tpu.memory_space<vmem>>
          %dma_start3A_173 = tpu.memref_slice %arg6[%mul3A_133] : memref<2560xi32, #tpu.memory_space<vmem>> -> memref<128xi32, #tpu.memory_space<vmem>>
          %dma_start3A_174 = arith.constant 0 : i32
          %dma_start3A_175 = arith.constant 0 : i32
          %dma_start3A_176 = tpu.memref_slice %arg8[%dma_start3A_174, %dma_start3A_175] : memref<10112x128xf32, #tpu.memory_space<vmem_shared>> -> memref<10112x128xf32, #tpu.memory_space<vmem_shared>>
          tpu.enqueue_indirect_dma source(%dma_start3A_172 : memref<128x128xf32, #tpu.memory_space<vmem>>) target(%dma_start3A_176 : memref<10112x128xf32, #tpu.memory_space<vmem_shared>>) offsets(%dma_start3A_173 : memref<128xi32, #tpu.memory_space<vmem>>) semaphore(%run_scoped3A_168 : memref<!tpu.dma_semaphore, #tpu.memory_space<semaphore_mem>>) {add = true}
          %dma_wait3A_177 = arith.constant 0 : i32
          %dma_wait3A_178 = arith.constant 0 : i32
          %dma_wait3A_179 = tpu.memref_slice %arg7[%while3A_30, %dma_wait3A_177, %dma_wait3A_178] : memref<2x128x128xf32, #tpu.memory_space<vmem>> -> memref<1x128x128xf32, #tpu.memory_space<vmem>>
          %dma_wait3A_180 = tpu.memref_squeeze %dma_wait3A_179 : memref<1x128x128xf32, #tpu.memory_space<vmem>> -> memref<128x128xf32, #tpu.memory_space<vmem>>
          %dma_wait3A_181 = tpu.memref_slice %arg6[%mul3A_133] : memref<2560xi32, #tpu.memory_space<vmem>> -> memref<128xi32, #tpu.memory_space<vmem>>
          %dma_wait3A_182 = arith.constant 0 : i32
          %dma_wait3A_183 = arith.constant 0 : i32
          %dma_wait3A_184 = tpu.memref_slice %arg8[%dma_wait3A_182, %dma_wait3A_183] : memref<10112x128xf32, #tpu.memory_space<vmem_shared>> -> memref<10112x128xf32, #tpu.memory_space<vmem_shared>>
          tpu.wait_indirect_dma semaphore(%run_scoped3A_168 : memref<!tpu.dma_semaphore, #tpu.memory_space<semaphore_mem>>) src(%dma_wait3A_180 : memref<128x128xf32, #tpu.memory_space<vmem>>) dst(%dma_wait3A_184 : memref<10112x128xf32, #tpu.memory_space<vmem_shared>>)
          tpu.yield
        }) : () -> ()
        %mul3A_134 = arith.constant 2 : i32
        %mul3A_135 = arith.muli %mul3A_134, %scan3A_101 : i32
        %add3A_136 = arith.constant 2 : i32
        %add3A_137 = arith.addi %mul3A_135, %add3A_136 : i32
        %mul3A_138 = arith.constant 128 : i32
        %mul3A_139 = arith.muli %add3A_137, %mul3A_138 : i32
        %dma_start3A_140 = arith.constant 0 : i32
        %dma_start3A_141 = arith.constant 0 : i32
        %dma_start3A_142 = tpu.memref_slice %arg7[%while3A_30, %dma_start3A_140, %dma_start3A_141] : memref<2x128x128xf32, #tpu.memory_space<vmem>> -> memref<1x128x128xf32, #tpu.memory_space<vmem>>
        %dma_start3A_143 = tpu.memref_squeeze %dma_start3A_142 : memref<1x128x128xf32, #tpu.memory_space<vmem>> -> memref<128x128xf32, #tpu.memory_space<vmem>>
        %dma_start3A_144 = tpu.memref_slice %arg5[%mul3A_139] : memref<2560xi32, #tpu.memory_space<vmem>> -> memref<128xi32, #tpu.memory_space<vmem>>
        %dma_start3A_145 = arith.constant 0 : i32
        %dma_start3A_146 = arith.constant 0 : i32
        %dma_start3A_147 = tpu.memref_slice %arg2[%dma_start3A_145, %dma_start3A_146] : memref<10000x128xf32, #tpu.memory_space<hbm>> -> memref<10000x128xf32, #tpu.memory_space<hbm>>
        tpu.enqueue_indirect_dma source(%dma_start3A_147 : memref<10000x128xf32, #tpu.memory_space<hbm>>) target(%dma_start3A_143 : memref<128x128xf32, #tpu.memory_space<vmem>>) offsets(%dma_start3A_144 : memref<128xi32, #tpu.memory_space<vmem>>) semaphore(%arg9 : memref<!tpu.dma_semaphore, #tpu.memory_space<semaphore_mem>>)
        %dma_wait3A_148 = arith.constant 0 : i32
        %dma_wait3A_149 = arith.constant 0 : i32
        %dma_wait3A_150 = tpu.memref_slice %arg7[%while3A_31, %dma_wait3A_148, %dma_wait3A_149] : memref<2x128x128xf32, #tpu.memory_space<vmem>> -> memref<1x128x128xf32, #tpu.memory_space<vmem>>
        %dma_wait3A_151 = tpu.memref_squeeze %dma_wait3A_150 : memref<1x128x128xf32, #tpu.memory_space<vmem>> -> memref<128x128xf32, #tpu.memory_space<vmem>>
        %dma_wait3A_152 = arith.constant 0 : i32
        %dma_wait3A_153 = arith.constant 0 : i32
        %dma_wait3A_154 = tpu.memref_slice %arg2[%dma_wait3A_152, %dma_wait3A_153] : memref<10000x128xf32, #tpu.memory_space<hbm>> -> memref<128x128xf32, #tpu.memory_space<hbm>>
        %dma_wait3A_155 = arith.constant 0 : i32
        %dma_wait3A_156 = arith.constant 0 : i32
        %dma_wait3A_157 = tpu.memref_slice %arg7[%while3A_31, %dma_wait3A_155, %dma_wait3A_156] : memref<2x128x128xf32, #tpu.memory_space<vmem>> -> memref<1x128x128xf32, #tpu.memory_space<vmem>>
        %dma_wait3A_158 = tpu.memref_squeeze %dma_wait3A_157 : memref<1x128x128xf32, #tpu.memory_space<vmem>> -> memref<128x128xf32, #tpu.memory_space<vmem>>
        %dma_wait3A_159 = arith.constant 0 : i32
        %dma_wait3A_160 = arith.constant 0 : i32
        %dma_wait3A_161 = tpu.memref_slice %arg2[%dma_wait3A_159, %dma_wait3A_160] : memref<10000x128xf32, #tpu.memory_space<hbm>> -> memref<128x128xf32, #tpu.memory_space<hbm>>
        tpu.wait_dma2 semaphore(%arg10 : memref<!tpu.dma_semaphore, #tpu.memory_space<semaphore_mem>>) src(%dma_wait3A_161 : memref<128x128xf32, #tpu.memory_space<hbm>>) dst(%dma_wait3A_158 : memref<128x128xf32, #tpu.memory_space<vmem>>)
        %mul3A_162 = arith.constant 2 : i32
        %mul3A_163 = arith.muli %mul3A_162, %scan3A_101 : i32
        %add3A_164 = arith.constant 1 : i32
        %add3A_165 = arith.addi %mul3A_163, %add3A_164 : i32
        %mul3A_166 = arith.constant 128 : i32
        %mul3A_167 = arith.muli %add3A_165, %mul3A_166 : i32
        "tpu.region"() ({
          %run_scoped3A_168 = tpu.sem_alloc : memref<!tpu.dma_semaphore, #tpu.memory_space<semaphore_mem>>
          %dma_start3A_169 = arith.constant 0 : i32
          %dma_start3A_170 = arith.constant 0 : i32
          %dma_start3A_171 = tpu.memref_slice %arg7[%while3A_31, %dma_start3A_169, %dma_start3A_170] : memref<2x128x128xf32, #tpu.memory_space<vmem>> -> memref<1x128x128xf32, #tpu.memory_space<vmem>>
          %dma_start3A_172 = tpu.memref_squeeze %dma_start3A_171 : memref<1x128x128xf32, #tpu.memory_space<vmem>> -> memref<128x128xf32, #tpu.memory_space<vmem>>
          %dma_start3A_173 = tpu.memref_slice %arg6[%mul3A_167] : memref<2560xi32, #tpu.memory_space<vmem>> -> memref<128xi32, #tpu.memory_space<vmem>>
          %dma_start3A_174 = arith.constant 0 : i32
          %dma_start3A_175 = arith.constant 0 : i32
          %dma_start3A_176 = tpu.memref_slice %arg8[%dma_start3A_174, %dma_start3A_175] : memref<10112x128xf32, #tpu.memory_space<vmem_shared>> -> memref<10112x128xf32, #tpu.memory_space<vmem_shared>>
          tpu.enqueue_indirect_dma source(%dma_start3A_172 : memref<128x128xf32, #tpu.memory_space<vmem>>) target(%dma_start3A_176 : memref<10112x128xf32, #tpu.memory_space<vmem_shared>>) offsets(%dma_start3A_173 : memref<128xi32, #tpu.memory_space<vmem>>) semaphore(%run_scoped3A_168 : memref<!tpu.dma_semaphore, #tpu.memory_space<semaphore_mem>>) {add = true}
          %dma_wait3A_177 = arith.constant 0 : i32
          %dma_wait3A_178 = arith.constant 0 : i32
          %dma_wait3A_179 = tpu.memref_slice %arg7[%while3A_31, %dma_wait3A_177, %dma_wait3A_178] : memref<2x128x128xf32, #tpu.memory_space<vmem>> -> memref<1x128x128xf32, #tpu.memory_space<vmem>>
          %dma_wait3A_180 = tpu.memref_squeeze %dma_wait3A_179 : memref<1x128x128xf32, #tpu.memory_space<vmem>> -> memref<128x128xf32, #tpu.memory_space<vmem>>
          %dma_wait3A_181 = tpu.memref_slice %arg6[%mul3A_167] : memref<2560xi32, #tpu.memory_space<vmem>> -> memref<128xi32, #tpu.memory_space<vmem>>
          %dma_wait3A_182 = arith.constant 0 : i32
          %dma_wait3A_183 = arith.constant 0 : i32
          %dma_wait3A_184 = tpu.memref_slice %arg8[%dma_wait3A_182, %dma_wait3A_183] : memref<10112x128xf32, #tpu.memory_space<vmem_shared>> -> memref<10112x128xf32, #tpu.memory_space<vmem_shared>>
          tpu.wait_indirect_dma semaphore(%run_scoped3A_168 : memref<!tpu.dma_semaphore, #tpu.memory_space<semaphore_mem>>) src(%dma_wait3A_180 : memref<128x128xf32, #tpu.memory_space<vmem>>) dst(%dma_wait3A_184 : memref<10112x128xf32, #tpu.memory_space<vmem_shared>>)
          tpu.yield
        }) : () -> ()
      }
      %scan3A_64 = arith.constant 9 : i32
      %dma_start3A_65 = arith.constant 0 : i32
      %dma_start3A_66 = arith.constant 0 : i32
      %dma_start3A_67 = tpu.memref_slice %arg7[%while3A_31, %dma_start3A_65, %dma_start3A_66] : memref<2x128x128xf32, #tpu.memory_space<vmem>> -> memref<1x128x128xf32, #tpu.memory_space<vmem>>
      %dma_start3A_68 = tpu.memref_squeeze %dma_start3A_67 : memref<1x128x128xf32, #tpu.memory_space<vmem>> -> memref<128x128xf32, #tpu.memory_space<vmem>>
      %dma_start3A_69 = arith.constant 2432 : i32
      %dma_start3A_70 = tpu.memref_slice %arg5[%dma_start3A_69] : memref<2560xi32, #tpu.memory_space<vmem>> -> memref<128xi32, #tpu.memory_space<vmem>>
      %dma_start3A_71 = arith.constant 0 : i32
      %dma_start3A_72 = arith.constant 0 : i32
      %dma_start3A_73 = tpu.memref_slice %arg2[%dma_start3A_71, %dma_start3A_72] : memref<10000x128xf32, #tpu.memory_space<hbm>> -> memref<10000x128xf32, #tpu.memory_space<hbm>>
      tpu.enqueue_indirect_dma source(%dma_start3A_73 : memref<10000x128xf32, #tpu.memory_space<hbm>>) target(%dma_start3A_68 : memref<128x128xf32, #tpu.memory_space<vmem>>) offsets(%dma_start3A_70 : memref<128xi32, #tpu.memory_space<vmem>>) semaphore(%arg10 : memref<!tpu.dma_semaphore, #tpu.memory_space<semaphore_mem>>)
      %dma_wait3A = arith.constant 0 : i32
      %dma_wait3A_74 = arith.constant 0 : i32
      %dma_wait3A_75 = tpu.memref_slice %arg7[%while3A_30, %dma_wait3A, %dma_wait3A_74] : memref<2x128x128xf32, #tpu.memory_space<vmem>> -> memref<1x128x128xf32, #tpu.memory_space<vmem>>
      %dma_wait3A_76 = tpu.memref_squeeze %dma_wait3A_75 : memref<1x128x128xf32, #tpu.memory_space<vmem>> -> memref<128x128xf32, #tpu.memory_space<vmem>>
      %dma_wait3A_77 = arith.constant 0 : i32
      %dma_wait3A_78 = arith.constant 0 : i32
      %dma_wait3A_79 = tpu.memref_slice %arg2[%dma_wait3A_77, %dma_wait3A_78] : memref<10000x128xf32, #tpu.memory_space<hbm>> -> memref<128x128xf32, #tpu.memory_space<hbm>>
      %dma_wait3A_80 = arith.constant 0 : i32
      %dma_wait3A_81 = arith.constant 0 : i32
      %dma_wait3A_82 = tpu.memref_slice %arg7[%while3A_30, %dma_wait3A_80, %dma_wait3A_81] : memref<2x128x128xf32, #tpu.memory_space<vmem>> -> memref<1x128x128xf32, #tpu.memory_space<vmem>>
      %dma_wait3A_83 = tpu.memref_squeeze %dma_wait3A_82 : memref<1x128x128xf32, #tpu.memory_space<vmem>> -> memref<128x128xf32, #tpu.memory_space<vmem>>
      %dma_wait3A_84 = arith.constant 0 : i32
      %dma_wait3A_85 = arith.constant 0 : i32
      %dma_wait3A_86 = tpu.memref_slice %arg2[%dma_wait3A_84, %dma_wait3A_85] : memref<10000x128xf32, #tpu.memory_space<hbm>> -> memref<128x128xf32, #tpu.memory_space<hbm>>
      tpu.wait_dma2 semaphore(%arg9 : memref<!tpu.dma_semaphore, #tpu.memory_space<semaphore_mem>>) src(%dma_wait3A_86 : memref<128x128xf32, #tpu.memory_space<hbm>>) dst(%dma_wait3A_83 : memref<128x128xf32, #tpu.memory_space<vmem>>)
      "tpu.region"() ({
        %run_scoped3A_101 = tpu.sem_alloc : memref<!tpu.dma_semaphore, #tpu.memory_space<semaphore_mem>>
        %dma_start3A_102 = arith.constant 0 : i32
        %dma_start3A_103 = arith.constant 0 : i32
        %dma_start3A_104 = tpu.memref_slice %arg7[%while3A_30, %dma_start3A_102, %dma_start3A_103] : memref<2x128x128xf32, #tpu.memory_space<vmem>> -> memref<1x128x128xf32, #tpu.memory_space<vmem>>
        %dma_start3A_105 = tpu.memref_squeeze %dma_start3A_104 : memref<1x128x128xf32, #tpu.memory_space<vmem>> -> memref<128x128xf32, #tpu.memory_space<vmem>>
        %dma_start3A_106 = arith.constant 2304 : i32
        %dma_start3A_107 = tpu.memref_slice %arg6[%dma_start3A_106] : memref<2560xi32, #tpu.memory_space<vmem>> -> memref<128xi32, #tpu.memory_space<vmem>>
        %dma_start3A_108 = arith.constant 0 : i32
        %dma_start3A_109 = arith.constant 0 : i32
        %dma_start3A_110 = tpu.memref_slice %arg8[%dma_start3A_108, %dma_start3A_109] : memref<10112x128xf32, #tpu.memory_space<vmem_shared>> -> memref<10112x128xf32, #tpu.memory_space<vmem_shared>>
        tpu.enqueue_indirect_dma source(%dma_start3A_105 : memref<128x128xf32, #tpu.memory_space<vmem>>) target(%dma_start3A_110 : memref<10112x128xf32, #tpu.memory_space<vmem_shared>>) offsets(%dma_start3A_107 : memref<128xi32, #tpu.memory_space<vmem>>) semaphore(%run_scoped3A_101 : memref<!tpu.dma_semaphore, #tpu.memory_space<semaphore_mem>>) {add = true}
        %dma_wait3A_111 = arith.constant 0 : i32
        %dma_wait3A_112 = arith.constant 0 : i32
        %dma_wait3A_113 = tpu.memref_slice %arg7[%while3A_30, %dma_wait3A_111, %dma_wait3A_112] : memref<2x128x128xf32, #tpu.memory_space<vmem>> -> memref<1x128x128xf32, #tpu.memory_space<vmem>>
        %dma_wait3A_114 = tpu.memref_squeeze %dma_wait3A_113 : memref<1x128x128xf32, #tpu.memory_space<vmem>> -> memref<128x128xf32, #tpu.memory_space<vmem>>
        %dma_wait3A_115 = arith.constant 2304 : i32
        %dma_wait3A_116 = tpu.memref_slice %arg6[%dma_wait3A_115] : memref<2560xi32, #tpu.memory_space<vmem>> -> memref<128xi32, #tpu.memory_space<vmem>>
        %dma_wait3A_117 = arith.constant 0 : i32
        %dma_wait3A_118 = arith.constant 0 : i32
        %dma_wait3A_119 = tpu.memref_slice %arg8[%dma_wait3A_117, %dma_wait3A_118] : memref<10112x128xf32, #tpu.memory_space<vmem_shared>> -> memref<10112x128xf32, #tpu.memory_space<vmem_shared>>
        tpu.wait_indirect_dma semaphore(%run_scoped3A_101 : memref<!tpu.dma_semaphore, #tpu.memory_space<semaphore_mem>>) src(%dma_wait3A_114 : memref<128x128xf32, #tpu.memory_space<vmem>>) dst(%dma_wait3A_119 : memref<10112x128xf32, #tpu.memory_space<vmem_shared>>)
        tpu.yield
      }) : () -> ()
      %dma_wait3A_87 = arith.constant 0 : i32
      %dma_wait3A_88 = arith.constant 0 : i32
      %dma_wait3A_89 = tpu.memref_slice %arg7[%while3A_31, %dma_wait3A_87, %dma_wait3A_88] : memref<2x128x128xf32, #tpu.memory_space<vmem>> -> memref<1x128x128xf32, #tpu.memory_space<vmem>>
      %dma_wait3A_90 = tpu.memref_squeeze %dma_wait3A_89 : memref<1x128x128xf32, #tpu.memory_space<vmem>> -> memref<128x128xf32, #tpu.memory_space<vmem>>
      %dma_wait3A_91 = arith.constant 0 : i32
      %dma_wait3A_92 = arith.constant 0 : i32
      %dma_wait3A_93 = tpu.memref_slice %arg2[%dma_wait3A_91, %dma_wait3A_92] : memref<10000x128xf32, #tpu.memory_space<hbm>> -> memref<128x128xf32, #tpu.memory_space<hbm>>
      %dma_wait3A_94 = arith.constant 0 : i32
      %dma_wait3A_95 = arith.constant 0 : i32
      %dma_wait3A_96 = tpu.memref_slice %arg7[%while3A_31, %dma_wait3A_94, %dma_wait3A_95] : memref<2x128x128xf32, #tpu.memory_space<vmem>> -> memref<1x128x128xf32, #tpu.memory_space<vmem>>
      %dma_wait3A_97 = tpu.memref_squeeze %dma_wait3A_96 : memref<1x128x128xf32, #tpu.memory_space<vmem>> -> memref<128x128xf32, #tpu.memory_space<vmem>>
      %dma_wait3A_98 = arith.constant 0 : i32
      %dma_wait3A_99 = arith.constant 0 : i32
      %dma_wait3A_100 = tpu.memref_slice %arg2[%dma_wait3A_98, %dma_wait3A_99] : memref<10000x128xf32, #tpu.memory_space<hbm>> -> memref<128x128xf32, #tpu.memory_space<hbm>>
      tpu.wait_dma2 semaphore(%arg10 : memref<!tpu.dma_semaphore, #tpu.memory_space<semaphore_mem>>) src(%dma_wait3A_100 : memref<128x128xf32, #tpu.memory_space<hbm>>) dst(%dma_wait3A_97 : memref<128x128xf32, #tpu.memory_space<vmem>>)
      "tpu.region"() ({
        %run_scoped3A_101 = tpu.sem_alloc : memref<!tpu.dma_semaphore, #tpu.memory_space<semaphore_mem>>
        %dma_start3A_102 = arith.constant 0 : i32
        %dma_start3A_103 = arith.constant 0 : i32
        %dma_start3A_104 = tpu.memref_slice %arg7[%while3A_31, %dma_start3A_102, %dma_start3A_103] : memref<2x128x128xf32, #tpu.memory_space<vmem>> -> memref<1x128x128xf32, #tpu.memory_space<vmem>>
        %dma_start3A_105 = tpu.memref_squeeze %dma_start3A_104 : memref<1x128x128xf32, #tpu.memory_space<vmem>> -> memref<128x128xf32, #tpu.memory_space<vmem>>
        %dma_start3A_106 = arith.constant 2432 : i32
        %dma_start3A_107 = tpu.memref_slice %arg6[%dma_start3A_106] : memref<2560xi32, #tpu.memory_space<vmem>> -> memref<128xi32, #tpu.memory_space<vmem>>
        %dma_start3A_108 = arith.constant 0 : i32
        %dma_start3A_109 = arith.constant 0 : i32
        %dma_start3A_110 = tpu.memref_slice %arg8[%dma_start3A_108, %dma_start3A_109] : memref<10112x128xf32, #tpu.memory_space<vmem_shared>> -> memref<10112x128xf32, #tpu.memory_space<vmem_shared>>
        tpu.enqueue_indirect_dma source(%dma_start3A_105 : memref<128x128xf32, #tpu.memory_space<vmem>>) target(%dma_start3A_110 : memref<10112x128xf32, #tpu.memory_space<vmem_shared>>) offsets(%dma_start3A_107 : memref<128xi32, #tpu.memory_space<vmem>>) semaphore(%run_scoped3A_101 : memref<!tpu.dma_semaphore, #tpu.memory_space<semaphore_mem>>) {add = true}
        %dma_wait3A_111 = arith.constant 0 : i32
        %dma_wait3A_112 = arith.constant 0 : i32
        %dma_wait3A_113 = tpu.memref_slice %arg7[%while3A_31, %dma_wait3A_111, %dma_wait3A_112] : memref<2x128x128xf32, #tpu.memory_space<vmem>> -> memref<1x128x128xf32, #tpu.memory_space<vmem>>
        %dma_wait3A_114 = tpu.memref_squeeze %dma_wait3A_113 : memref<1x128x128xf32, #tpu.memory_space<vmem>> -> memref<128x128xf32, #tpu.memory_space<vmem>>
        %dma_wait3A_115 = arith.constant 2432 : i32
        %dma_wait3A_116 = tpu.memref_slice %arg6[%dma_wait3A_115] : memref<2560xi32, #tpu.memory_space<vmem>> -> memref<128xi32, #tpu.memory_space<vmem>>
        %dma_wait3A_117 = arith.constant 0 : i32
        %dma_wait3A_118 = arith.constant 0 : i32
        %dma_wait3A_119 = tpu.memref_slice %arg8[%dma_wait3A_117, %dma_wait3A_118] : memref<10112x128xf32, #tpu.memory_space<vmem_shared>> -> memref<10112x128xf32, #tpu.memory_space<vmem_shared>>
        tpu.wait_indirect_dma semaphore(%run_scoped3A_101 : memref<!tpu.dma_semaphore, #tpu.memory_space<semaphore_mem>>) src(%dma_wait3A_114 : memref<128x128xf32, #tpu.memory_space<vmem>>) dst(%dma_wait3A_119 : memref<10112x128xf32, #tpu.memory_space<vmem_shared>>)
        tpu.yield
      }) : () -> ()
    }
    %barrier3A_41 = arith.constant 0 : index
    tpu.barrier barrier_id(%barrier3A_41)
    "tpu.region"() ({
      %run_scoped3A_42 = tpu.sem_alloc : memref<!tpu.dma_semaphore, #tpu.memory_space<semaphore_mem>>
      %dma_start3A = arith.constant 0 : i32
      %dma_start3A_43 = tpu.memref_slice %arg4[%arg0, %mul3A_9, %dma_start3A] : memref<2x10112x128xf32, #tpu.memory_space<hbm>> -> memref<1x632x128xf32, #tpu.memory_space<hbm>>
      %dma_start3A_44 = tpu.memref_squeeze %dma_start3A_43 : memref<1x632x128xf32, #tpu.memory_space<hbm>> -> memref<632x128xf32, #tpu.memory_space<hbm>>
      %dma_start3A_45 = arith.constant 0 : i32
      %dma_start3A_46 = tpu.memref_slice %arg8[%mul3A_9, %dma_start3A_45] : memref<10112x128xf32, #tpu.memory_space<vmem_shared>> -> memref<632x128xf32, #tpu.memory_space<vmem_shared>>
      tpu.enqueue_dma source(%dma_start3A_46 : memref<632x128xf32, #tpu.memory_space<vmem_shared>>) target(%dma_start3A_44 : memref<632x128xf32, #tpu.memory_space<hbm>>) target_semaphore(%run_scoped3A_42 : memref<!tpu.dma_semaphore, #tpu.memory_space<semaphore_mem>>)
      %dma_wait3A = arith.constant 0 : i32
      %dma_wait3A_47 = tpu.memref_slice %arg4[%arg0, %mul3A_9, %dma_wait3A] : memref<2x10112x128xf32, #tpu.memory_space<hbm>> -> memref<1x632x128xf32, #tpu.memory_space<hbm>>
      %dma_wait3A_48 = tpu.memref_squeeze %dma_wait3A_47 : memref<1x632x128xf32, #tpu.memory_space<hbm>> -> memref<632x128xf32, #tpu.memory_space<hbm>>
      %dma_wait3A_49 = arith.constant 0 : i32
      %dma_wait3A_50 = tpu.memref_slice %arg8[%mul3A_9, %dma_wait3A_49] : memref<10112x128xf32, #tpu.memory_space<vmem_shared>> -> memref<632x128xf32, #tpu.memory_space<vmem_shared>>
      tpu.wait_dma2 semaphore(%run_scoped3A_42 : memref<!tpu.dma_semaphore, #tpu.memory_space<semaphore_mem>>) src(%dma_wait3A_50 : memref<632x128xf32, #tpu.memory_space<vmem_shared>>) dst(%dma_wait3A_48 : memref<632x128xf32, #tpu.memory_space<hbm>>)
      tpu.yield
    }) : () -> ()
    return
  }
}

module attributes {stable_mosaic.version = 14 : i64} {
  func.func @_mm_body(%arg0: memref<10000x128xf32, #tpu.memory_space<vmem>>, %arg1: memref<128x128xf32, #tpu.memory_space<vmem>>, %arg2: memref<32x10112xf32, #tpu.memory_space<vmem>>, %arg3: memref<10000x128xf32, #tpu.memory_space<vmem>>) attributes {dimension_semantics = [], scalar_prefetch = 0 : i64, scratch_operands = 0 : i64, tpu.core_type = #tpu.core_type<tc>} {
    %get3A = arith.constant 0 : index
    %get3A_0 = arith.constant 0 : index
    %get3A_1 = vector.load %arg2[%get3A, %get3A_0] : memref<32x10112xf32, #tpu.memory_space<vmem>>, vector<32x10112xf32>
    %broadcast_in_dim3A = arith.constant 1.000000e+00 : f32
    %broadcast_in_dim3A_2 = vector.broadcast %broadcast_in_dim3A : f32 to vector<32x128xf32>
    %dot_general3A = arith.constant dense<0.000000e+00> : vector<10112x128xf32>
    %dot_general3A_3 = tpu.matmul %get3A_1, %broadcast_in_dim3A_2, %dot_general3A {dimension_numbers = #tpu.dot_dimension_numbers<[0], [0], [1], [1], [0, 1, 1, 1], [], []>, transpose_lhs_hint = false} : vector<32x10112xf32>, vector<32x128xf32>, vector<10112x128xf32> -> vector<10112x128xf32>
    %add3A = arith.constant 1.000000e+00 : f32
    %add3A_4 = vector.broadcast %add3A : f32 to vector<10112x128xf32>
    %add3A_5 = arith.addf %dot_general3A_3, %add3A_4 : vector<10112x128xf32>
    %rsqrt3A = math.rsqrt %add3A_5 : vector<10112x128xf32>
    %slice3A = vector.extract_strided_slice %rsqrt3A {offsets = [0, 0], sizes = [10000, 128], strides = [1, 1]} : vector<10112x128xf32> to vector<10000x128xf32>
    %get3A_6 = arith.constant 0 : index
    %get3A_7 = arith.constant 0 : index
    %get3A_8 = vector.load %arg0[%get3A_6, %get3A_7] : memref<10000x128xf32, #tpu.memory_space<vmem>>, vector<10000x128xf32>
    %get3A_9 = arith.constant 0 : index
    %get3A_10 = arith.constant 0 : index
    %get3A_11 = vector.load %arg1[%get3A_9, %get3A_10] : memref<128x128xf32, #tpu.memory_space<vmem>>, vector<128x128xf32>
    %dot_general3A_12 = arith.constant dense<0.000000e+00> : vector<10000x128xf32>
    %dot_general3A_13 = tpu.matmul %get3A_8, %get3A_11, %dot_general3A_12 {dimension_numbers = #tpu.dot_dimension_numbers<[1], [0], [0], [1], [0, 0, 1, 1], [], []>, transpose_lhs_hint = false} : vector<10000x128xf32>, vector<128x128xf32>, vector<10000x128xf32> -> vector<10000x128xf32>
    %mul3A = arith.mulf %dot_general3A_13, %slice3A : vector<10000x128xf32>
    %swap3A = arith.constant 0 : index
    %swap3A_14 = arith.constant 0 : index
    %swap3A_15 = vector.load %arg3[%swap3A, %swap3A_14] : memref<10000x128xf32, #tpu.memory_space<vmem>>, vector<10000x128xf32>
    tpu.vector_store %arg3[%swap3A, %swap3A_14], %mul3A {strides = array<i32>} : memref<10000x128xf32, #tpu.memory_space<vmem>>, vector<10000x128xf32>,
    return
  }
}

module attributes {stable_mosaic.version = 14 : i64} {
  func.func @_fin_body(%arg0: memref<2x10112x128xf32, #tpu.memory_space<vmem>>, %arg1: memref<10000x128xf32, #tpu.memory_space<vmem>>, %arg2: memref<32x10112xf32, #tpu.memory_space<vmem>>, %arg3: memref<10000x128xf32, #tpu.memory_space<vmem>>, %arg4: memref<1x128xf32, #tpu.memory_space<vmem>>, %arg5: memref<10000x128xf32, #tpu.memory_space<vmem>>) attributes {dimension_semantics = [], scalar_prefetch = 0 : i64, scratch_operands = 0 : i64, tpu.core_type = #tpu.core_type<tc>} {
    %get3A = arith.constant 0 : index
    %get3A_0 = arith.constant 0 : index
    %get3A_1 = vector.load %arg2[%get3A, %get3A_0] : memref<32x10112xf32, #tpu.memory_space<vmem>>, vector<32x10112xf32>
    %broadcast_in_dim3A = arith.constant 1.000000e+00 : f32
    %broadcast_in_dim3A_2 = vector.broadcast %broadcast_in_dim3A : f32 to vector<32x128xf32>
    %dot_general3A = arith.constant dense<0.000000e+00> : vector<10112x128xf32>
    %dot_general3A_3 = tpu.matmul %get3A_1, %broadcast_in_dim3A_2, %dot_general3A {dimension_numbers = #tpu.dot_dimension_numbers<[0], [0], [1], [1], [0, 1, 1, 1], [], []>, transpose_lhs_hint = false} : vector<32x10112xf32>, vector<32x128xf32>, vector<10112x128xf32> -> vector<10112x128xf32>
    %add3A = arith.constant 1.000000e+00 : f32
    %add3A_4 = vector.broadcast %add3A : f32 to vector<10112x128xf32>
    %add3A_5 = arith.addf %dot_general3A_3, %add3A_4 : vector<10112x128xf32>
    %rsqrt3A = math.rsqrt %add3A_5 : vector<10112x128xf32>
    %slice3A = vector.extract_strided_slice %rsqrt3A {offsets = [0, 0], sizes = [10000, 128], strides = [1, 1]} : vector<10112x128xf32> to vector<10000x128xf32>
    %get3A_6 = arith.constant 0 : index
    %get3A_7 = arith.constant 0 : index
    %get3A_8 = arith.constant 0 : index
    %get3A_9 = vector.load %arg0[%get3A_6, %get3A_7, %get3A_8] : memref<2x10112x128xf32, #tpu.memory_space<vmem>>, vector<1x10112x128xf32>
    %get3A_10 = vector.shape_cast %get3A_9 : vector<1x10112x128xf32> to vector<10112x128xf32>
    %get3A_11 = arith.constant 1 : index
    %get3A_12 = arith.constant 0 : index
    %get3A_13 = arith.constant 0 : index
    %get3A_14 = vector.load %arg0[%get3A_11, %get3A_12, %get3A_13] : memref<2x10112x128xf32, #tpu.memory_space<vmem>>, vector<1x10112x128xf32>
    %get3A_15 = vector.shape_cast %get3A_14 : vector<1x10112x128xf32> to vector<10112x128xf32>
    %add3A_16 = arith.addf %get3A_10, %get3A_15 : vector<10112x128xf32>
    %slice3A_17 = vector.extract_strided_slice %add3A_16 {offsets = [0, 0], sizes = [10000, 128], strides = [1, 1]} : vector<10112x128xf32> to vector<10000x128xf32>
    %get3A_18 = arith.constant 0 : index
    %get3A_19 = arith.constant 0 : index
    %get3A_20 = vector.load %arg1[%get3A_18, %get3A_19] : memref<10000x128xf32, #tpu.memory_space<vmem>>, vector<10000x128xf32>
    %add3A_21 = arith.addf %slice3A_17, %get3A_20 : vector<10000x128xf32>
    %mul3A = arith.mulf %slice3A, %add3A_21 : vector<10000x128xf32>
    %get3A_22 = arith.constant 0 : index
    %get3A_23 = arith.constant 0 : index
    %get3A_24 = vector.load %arg4[%get3A_22, %get3A_23] : memref<1x128xf32, #tpu.memory_space<vmem>>, vector<1x128xf32>
    %add3A_25 = vector.broadcast %get3A_24 : vector<1x128xf32> to vector<10000x128xf32>
    %add3A_26 = arith.addf %mul3A, %add3A_25 : vector<10000x128xf32>
    %max3A = arith.constant 0.000000e+00 : f32
    %max3A_27 = vector.broadcast %max3A : f32 to vector<10000x128xf32>
    %max3A_28 = arith.maximumf %add3A_26, %max3A_27 : vector<10000x128xf32>
    %get3A_29 = arith.constant 0 : index
    %get3A_30 = arith.constant 0 : index
    %get3A_31 = vector.load %arg3[%get3A_29, %get3A_30] : memref<10000x128xf32, #tpu.memory_space<vmem>>, vector<10000x128xf32>
    %add3A_32 = arith.addf %max3A_28, %get3A_31 : vector<10000x128xf32>
    %swap3A = arith.constant 0 : index
    %swap3A_33 = arith.constant 0 : index
    %swap3A_34 = vector.load %arg5[%swap3A, %swap3A_33] : memref<10000x128xf32, #tpu.memory_space<vmem>>, vector<10000x128xf32>
    tpu.vector_store %arg5[%swap3A, %swap3A_33], %add3A_32 {strides = array<i32>} : memref<10000x128xf32, #tpu.memory_space<vmem>>, vector<10000x128xf32>,
    return
  }
}

</mosaic_0001>

<sc_bundles>
// kernel: kernel.6.cloned.1.call-start
scs
__scs_entry_jumppad:
0x0: {  	(pc) =	sbr.rel $0x88, $3  }
0x1: {  	(tag) =	ssettag $0x0;
	lr =	simm.s32 $0x1  }
0x2: {  	[smem:$0x3F9D] =	sst lr;
	_ =	strace $0xD0000000  }
0x3: {  	_ = 	snop  }
0x4: {  	_ = 	snop  }
0x5: {  	_ = 	snop  }
0x6: {  	_ = 	snop  }
0x7: {  	_ = 	snop  }
__scs_overlays_trampoline_lowered:
0x8: {  	[smem:$0x3FAC] =	sst s0  }
0x9: {  	[smem:$0x3FAD] =	sst s1  }
0xa: {  	[smem:$0x3FAE] =	sst s2  }
0xb: {  	[smem:$0x3FAF] =	sst s3  }
0xc: {  	[smem:$0x3FB0] =	sst s4  }
0xd: {  	[smem:$0x3FB1] =	sst s5  }
0xe: {  	[smem:$0x3FB2] =	sst s6  }
0xf: {  	[smem:$0x3FB3] =	sst s7  }
0x10: {  	[smem:$0x3FB4] =	sst s8  }
0x11: {  	[smem:$0x3FB5] =	sst s9;
	s0 =	simm.s32 @!p0 $0x0  }
0x12: {  	s1 =	sld [smem:$0x3F9B];
	s0 =	simm.s32 @p0 $0x1  }
0x13: {  	[smem:$0x3FB6] =	sst s0;
	s0 =	simm.s32 @!p1 $0x0  }
0x14: {  	s2 =	sld [smem:$0x3F9A];
	s0 =	simm.s32 @p1 $0x1  }
0x15: {  	[smem:$0x3FB7] =	sst s0;
	s0 =	simm.s32 @!p2 $0x0  }
0x16: {  	s3 =	sld [smem:$0x3FDB];
	s0 =	simm.s32 @p2 $0x1  }
0x17: {  	s4 =	simm.s32 $0x1BF5;
	[smem:$0x3FB9] =	sst s0  }
0x18: {  	s0 =	sld [smem:$0x3F9C];
	_ =	swait.ge [sflag:s4], $0x0  }
0x19: {  	s7 =	sld [smem:$0x3F9D]  }
0x1a: {  	s8 =	sadd.s32 $0xFFFFE003, lr  }
0x1b: {  	s9 =	sadd.s32 $0xFFFFFEF7, lr;
	s5 =	simm.s32 $0xFFFFFFFF;
	p2 =	slt.u32 s8, $0xFFFFF086  }
0x1c: {  	p1 =	slt.u32 s9, $0xF7A;
	s5 =	simm.s32 @!p2 $0x0  }
0x1d: {  	s5 =	simm.s32 @p1 $0x1;
	p0 =	seq.s32 s7, s2  }
0x1e: {  	s7 =	smul.u32 @!p0 $0xF7A, s2;
	p2 =	seq.s32 @!p0 s5, $0x0  }
0x1f: {  	s9 =	smul.u32 $0xF7A, s1;
	s8 =	simm.s32 @!p0 $0x1BF5;
	p2 =	por !p2, p0  }
0x20: {  	[sflag:s8] =	ssyncset.s32 @!p0 $0xFFFFF086;
	s6 =	sadd.s32 @!p0 s3, s7;
	s7 =	simm.s32 @!p0 $0x108  }
0x21: {  	s3 =	sadd.s32 s3, s9;
	s6 =	sadd.s32 @!p0 $0x88, s6;
	s7 =	simm.s32 @p2 $0x1082  }
0x22: {  	[simem:s7], [sflag:s8] =	dma.local @!p0 [hbm:s6], $0xF7A  }
0x23: {  	s9 =	sor.u32 $0xD0000000, s2;
	s6 =	simm.s32 $0x108;
	_ =	swait.ge @!p0 [sflag:s8], $0x0  }
0x24: {  	s3 =	sadd.s32 $0x88, s3;
	s6 =	simm.s32 @!p1 $0x1082;
	[sflag:s4] =	ssyncset.s32 $0xFFFFF086  }
0x25: {  	[simem:s6], [sflag:s4] =	dma.local [hbm:s3], $0xF7A  }
0x26: {  	[smem:$0x3F9D] =	sst s1;
	(tag) =	ssettag s2;
	_ =	strace s9  }
0x27: {  	s1 =	sld [smem:$0x3FAD]  }
0x28: {  	s2 =	sld [smem:$0x3FAE]  }
0x29: {  	s4 =	sld [smem:$0x3FB0]  }
0x2a: {  	p0 =	seq.s32 s5, $0x0;
	s5 =	sld [smem:$0x3FB1]  }
0x2b: {  	s6 =	sld [smem:$0x3FB2]  }
0x2c: {  	s7 =	sld [smem:$0x3FB3]  }
0x2d: {  	s3 =	simm.s32 $0x108;
	s8 =	sld [smem:$0x3FB4]  }
0x2e: {  	s3 =	simm.s32 @!p0 $0x1082;
	s9 =	sld [smem:$0x3FB5]  }
0x2f: {  	lr =	sadd.s32 s0, s3;
	s0 =	sld [smem:$0x3FAC]  }
0x30: {  	s3 =	sld [smem:$0x3FAF]  }
0x31: {  	[smem:$0x3FB8] =	sst s10  }
0x32: {  	s10 =	sld [smem:$0x3FB6];
	_ =	sdelay $0x3  }
0x33: {  	p0 =	seq.s32 s10, $0x1;
	s10 =	sld [smem:$0x3FB8];
	_ =	sdelay $0x3  }
0x34: {  	[smem:$0x3FB8] =	sst s10  }
0x35: {  	s10 =	sld [smem:$0x3FB7];
	_ =	sdelay $0x3  }
0x36: {  	p1 =	seq.s32 s10, $0x1;
	s10 =	sld [smem:$0x3FB8];
	_ =	sdelay $0x3  }
0x37: {  	[smem:$0x3FB8] =	sst s10  }
0x38: {  	s10 =	sld [smem:$0x3FB9]  }
0x39: {  	_ = 	snop;
	(pc) =	sbr.ind lr, $3  }
0x3a: {  	_ = 	snop  }
0x3b: {  	_ = 	snop  }
0x3c: {  	p2 =	seq.s32 s10, $0x1;
	s10 =	sld [smem:$0x3FB8]  }
0x3d: {  	_ =	shalt  }
0x3e: {  	_ =	shalt  }
0x3f: {  	_ =	shalt  }
0x40: {  	_ =	shalt  }
0x41: {  	_ =	shalt  }
0x42: {  	_ =	shalt  }
0x43: {  	_ =	shalt  }
0x44: {  	_ =	shalt  }
0x45: {  	_ =	shalt  }
0x46: {  	_ =	shalt  }
0x47: {  	_ =	shalt  }
0x48: {  	_ =	shalt  }
0x49: {  	_ =	shalt  }
0x4a: {  	_ =	shalt  }
0x4b: {  	_ =	shalt  }
0x4c: {  	_ =	shalt  }
0x4d: {  	_ =	shalt  }
0x4e: {  	_ =	shalt  }
0x4f: {  	_ =	shalt  }
0x50: {  	_ =	shalt  }
0x51: {  	_ =	shalt  }
0x52: {  	_ =	shalt  }
0x53: {  	_ =	shalt  }
0x54: {  	_ =	shalt  }
0x55: {  	_ =	shalt  }
0x56: {  	_ =	shalt  }
0x57: {  	_ =	shalt  }
0x58: {  	_ =	shalt  }
0x59: {  	_ =	shalt  }
0x5a: {  	_ =	shalt  }
0x5b: {  	_ =	shalt  }
0x5c: {  	_ =	shalt  }
0x5d: {  	_ =	shalt  }
0x5e: {  	_ =	shalt  }
0x5f: {  	_ =	shalt  }
0x60: {  	_ =	shalt  }
0x61: {  	_ =	shalt  }
0x62: {  	_ =	shalt  }
0x63: {  	_ =	shalt  }
0x64: {  	_ =	shalt  }
0x65: {  	_ =	shalt  }
0x66: {  	_ =	shalt  }
0x67: {  	_ =	shalt  }
0x68: {  	_ =	shalt  }
0x69: {  	_ =	shalt  }
0x6a: {  	_ =	shalt  }
0x6b: {  	_ =	shalt  }
0x6c: {  	_ =	shalt  }
0x6d: {  	_ =	shalt  }
0x6e: {  	_ =	shalt  }
0x6f: {  	_ =	shalt  }
0x70: {  	_ =	shalt  }
0x71: {  	_ =	shalt  }
0x72: {  	_ =	shalt  }
0x73: {  	_ =	shalt  }
0x74: {  	_ =	shalt  }
0x75: {  	_ =	shalt  }
0x76: {  	_ =	shalt  }
0x77: {  	_ =	shalt  }
0x78: {  	_ =	shalt  }
0x79: {  	_ =	shalt  }
0x7a: {  	_ =	shalt  }
0x7b: {  	_ =	shalt  }
0x7c: {  	_ =	shalt  }
0x7d: {  	_ =	shalt  }
0x7e: {  	_ =	shalt  }
0x7f: {  	_ =	shalt  }
0x80: {  	_ =	shalt  }
0x81: {  	_ =	shalt  }
0x82: {  	_ =	shalt  }
0x83: {  	_ =	shalt  }
0x84: {  	_ =	shalt  }
0x85: {  	_ =	shalt  }
0x86: {  	_ =	shalt  }
0x87: {  	_ =	shalt  }
.Lfunc_end0:
.L_simem_size_0:
called_computation_lowered:
.L_overlay_start_0:
0x88: {  	s2 =	sld [smem:$0x3FD9]  }
0x89: {  	s3 =	sld [smem:$0x3FFE];
	_ =	sdelay $0x1  }
0x8a: {  	s1 =	srdreg.scid  }
0x8b: {  	s0 =	sand.u32 $0x1, s1  }
0x8c: {  	s17 =	sshll.u32 s0, $0xA;
	s2 =	sadd.s32 s3, s2  }
0x8d: {  	s2 =	sadd.s32 s2, s17  }
0x8e: {  	[smem:$0x3FC4] =	sst s2  }
0x8f: {  	_ = 	snop  }
0x90: {  	s2 =	sld [smem:$0x3FD0];
	(tm) =	ssettm $0x1  }
0x91: {  	s18 =	sld [smem:$0x3FFB];
	_ =	sdelay $0x3  }
0x92: {  	_ =	strace s18  }
0x93: {  	s3 =	sld [smem:$0x3FFC];
	_ =	sdelay $0x3  }
0x94: {  	_ =	strace s3  }
0x95: {  	s3 =	sld [smem:$0x3FFD];
	_ =	sdelay $0x3  }
0x96: {  	_ =	strace s3  }
0x97: {  	_ =	strace $0x8FFFFFFF  }
0x98: {  	s19 =	sld [smem:$0x3FDB];
	_ =	sdelay $0x1  }
0x99: {  	s4 =	simm.s32 $_scs_section_size  }
0x9a: {  	s5 =	simm.s32 $_size__tile_overlayer_lowered;
	s6 =	simm.s32 $_tile_overlayer_lowered  }
0x9b: {  	s22 =	simm.s32 $0x1BFF;
	s21 =	sshll.u32 s6, $0x1;
	s3 =	sadd.s32 s4, s19  }
0x9c: {  	s7 =	simm.s32 $0x0;
	s20 =	sshll.u32 s5, $0x1;
	s5 =	sadd.s32 s21, s3  }
0x9d: {  	[timem:s7], [sflag:s22] =	dma.local [hbm:s5], s20  }
0x9e: {  	_ =	swait.ge [sflag:s22], s20  }
0x9f: {  	s4 =	ssub.s32 $0x0, s20;
	[sflag:s22] =	ssyncset.done $0x0  }
0xa0: {  	[sflag:s22] =	ssyncadd.s32 s4;
	_ =	sdelay $0x1  }
0xa1: {  	s23 =	simm.s32 $0x1B8B  }
0xa2: {  	_ =	swait.ge [sflag:s23], $0x1  }
0xa3: {  	[sflag:s23] =	ssyncset.done $0x0  }
0xa4: {  	s25 =	simm.s32 $0x1B8E;
	s24 =	sld [smem:$0x3FFE];
	[sflag:s23] =	ssyncadd.s32 $0xFFFFFFFF  }
0xa5: {  	s26 =	simm.s32 $execute0_lowered;
	[smem:$0x3FD2] =	sst s25  }
0xa6: {  	s5 =	sshll.u32 s26, $0x1;
	_ =	strace $0x80000046;
	[dreg:$0x1] =	wrdreg $0xFFFFFFFF  }
0xa7: {  	s28 =	simm.s32 $_size_execute0_lowered;
	s3 =	sadd.s32 s3, s5;
	[dreg:$0x0] =	wrdreg $0x0  }
0xa8: {  	s5 =	sshll.u32 s28, $0x1;
	[dreg:$0x2] =	wrdreg s3  }
0xa9: {  	[dreg:$0x3] =	wrdreg s5  }
0xaa: {  	[dreg:$0x4] =	wrdreg $0xC0  }
0xab: {  	_ =	task [dreg:s7], $0x5FFFF  }
0xac: {  	[dreg:$0x1] =	wrdreg $0xFFFFFFFF  }
0xad: {  	[dreg:$0x0] =	wrdreg $0x60  }
0xae: {  	[dreg:$0x2] =	wrdreg s24  }
0xaf: {  	[dreg:$0x3] =	wrdreg s2  }
0xb0: {  	[dreg:$0x4] =	wrdreg $0x9  }
0xb1: {  	_ =	task.clear_ibuf [dreg:s7], $0x5FFFF;
	_ =	strace $0x90000046  }
0xb2: {  	s29 =	simm.s32 $0x9;
	_ =	strace $0x80000048  }
0xb3: {  	_ =	swait.ge [sflag:s29], $0x1  }
0xb4: {  	[sflag:s29] =	ssyncadd.s32 $0xFFFFFFFF  }
0xb5: {  	_ =	strace $0x90000048  }
0xb6: {  	_ =	sfence  }
0xb7: {  	s30 =	sld [smem:$0x0];
	_ =	sdelay $0x2  }
0xb8: {  	s31 =	sshll.u32 s1, $0xD;
	s1 =	sshrl.u32 s1, $0x2  }
0xb9: {  	s3 =	sand.u32 $0x4000, s31;
	s1 =	sadd.s32 s1, s30  }
0xba: {  	s0 =	sor.u32 s3, s0;
	s1 =	sshll.u32 s1, $0x11  }
0xbb: {  	s0 =	sor.u32 s1, s0  }
0xbc: {  	s0 =	sadd.s32 $0x8F2B, s0  }
0xbd: {  	[sflag:s0] =	ssyncadd.remote.s32 $0x1  }
0xbe: {  	_ =	sfence.sel $0xFFFF  }
0xbf: {  	[dreg:$0x0] =	wrdreg $0xFFFFFFFF;
	(pc) =	sbr.abs _section_cstart, $3  }
0xc0: {  	[dreg:$0x1] =	wrdreg $0xFFFFFFFF  }
0xc1: {  	_ =	task.clear_ibuf [dreg:s7], $0x2FFFF;
	_ =	strace $0x9FFFFFFF  }
0xc2: {  	(tm) =	ssettm $0x7FFFFFFF  }
0xc3: {  	_ =	shalt  }
tec
execute0_lowered:
.L_overlay_start_1:
0x0: {  	(tag) =	ssettag $0x1  }
0x1: {  	s3 =	rddreg [dreg:$0x0]  }
0x2: {  	s5 =	rddreg [dreg:$0x1];
	s2 =	srdreg.scid  }
0x3: {  	s1 =	stileid.u32;
	s0 =	rddreg [dreg:$0x2];
	s10 =	simm.s32 $0x400  }
0x4: {  	s4 =	sand.u32 $0x1, s2;
	s6 =	sshll.u32 s1, $0x1;
	s2 =	simm.s32 $0x0  }
0x5: {  	s30 =	sshrl.u32 s1, $0x2;
	s3 =	sadd.s32 $0x1C00, s3;
	s9 =	sor.u32 s4, s6  }
0x6: {  	[smem:$0x7FF] =	sst s2;
	s6 =	smul.u32 $0x13C00, s30;
	s4 =	ssub.s32 $0x2, s4  }
0x7: {  	s7 =	sshll.u32 s9, $0x7;
	_ =	strace $0x80000047;
	s8 =	smul.u32 $0x2800, s9  }
0x8: {  	s31 =	sshrl.u32 s4, $0x1;
	p0 =	seq.s32 s9, $0x1F;
	s7 =	sand.u32 $0x380, s7  }
0x9: {  	s9 =	simm.s32 $0x80;
	s6 =	sor.u32 s6, s7;
	s7 =	ssub.s32 s4, s31  }
0xa: {  	s4 =	sadd.s32 $0x4E200, s8;
	s8 =	simm.s32 $0xA00;
	s6 =	sshrl.u32 s6, $0x3  }
0xb: {  	v0 =	vimm.f32 $0.0e+00;
	v1 =	vimm.f32 $1.000000000e+00;
	s5 =	sadd.s32 s5, s6;
	s6 =	smax.u32 s7, $0x1;
	s7 =	simm.s32 $0x1  }
.LBB2_1:
0xc: {  	s11 =	simm.s32 $0x40;
	s12 =	simm.s32 $0x0  }
.LBB2_2:
0xd: {  	p1 =	sne.s32 s11, $0x9DC0;
	[tilespmem:s12+$0xA00] =	vst v0;
	s12 =	smov.u32 s11;
	s11 =	sadd.s32 $0x40, s11  }
.Ltmp0:
0xe: {  	(pc) =	sbr.rel @p1 .LBB2_2-.Ltmp0, $2  }
0xf: {  	_ =	sdelay $0x2  }
0x10: {  	s12 =	sshra.s32 s12, $0x2  }
0x11: {  	[tilespmem:s12+$0xA00] =	vst v0;
	s11 =	simm.s32 $0x0;
	s12 =	simm.s32 $0x0  }
.LBB2_4:
0x12: {  	s13 =	smul.u32 $0xA00, s12;
	_ =	sdelay $0x1  }
0x13: {  	s13 =	sadd.s32 s13, s4  }
0x14: {  	s13 =	sshrl.u32 s13, $0x3  }
0x15: {  	s13 =	sadd.s32 s3, s13  }
0x16: {  	[tilespmem:s11], [sflag:$0x1] =	stream.linear.gather [hbm4b:s13+s11], $0xA00, $0x38;
	[tilespmem:$0x3180] =	vst v63  }
0x17: {  	_ =	swait.ge [sflag:s7], $0xA00  }
0x18: {  	[sflag:s7] =	ssyncset.done $0x0  }
0x19: {  	s14 =	simm.s32 $0x0;
	s13 =	simm.s32 $0x40;
	[sflag:s7] =	ssyncadd.s32 $0xFFFFF600  }
.LBB2_5:
0x1a: {  	p1 =	sne.s32 s13, $0x27C0;
	v2 =	vld [tilespmem:s14+$0x0];
	_ =	sdelay $0x3  }
.Ltmp1:
0x1b: {  	(pc) =	sbr.rel @p1 .LBB2_5-.Ltmp1, $2  }
0x1c: {  	_ =	sdelay $0x2  }
0x1d: {  	s14 =	sshra.s32 s13, $0x2;
	s13 =	sadd.s32 $0x40, s13;
	[tilespmem:v2+s8+$0x0] =	vst.idx.add.f32.msk $0xffff, v1  }
0x1e: {  	v2 =	vld [tilespmem:s14+$0x0];
	_ =	sdelay $0x1  }
0x1f: {  	p1 =	slt.u32 @!p0 s12, $0x3  }
0x20: {  	p1 =	por p0, !p1  }
.Ltmp2:
0x21: {  	_ = 	snop;
	(pc) =	sbr.rel @!p1 .LBB2_4-.Ltmp2, $2  }
0x22: {  	_ =	sdelay $0x2  }
0x23: {  	s12 =	sadd.s32 $0x1, s12;
	[tilespmem:v2+s8+$0x0] =	vst.idx.add.f32.msk $0xffff, v1  }
0x24: {  	s2 =	sadd.s32 $0x1, s2  }
0x25: {  	p1 =	sne.s32 s2, s6  }
.Ltmp3:
0x26: {  	_ = 	snop;
	(pc) =	sbr.rel @p1 .LBB2_1-.Ltmp3, $4  }
0x27: {  	[hbm4b:s5+s9] =	stream.strided.scatter [tilespmem:s8], [sflag:$0x1], $0x2780, s10, s9, $0x38;
	[tilespmem:$0x3180] =	vst v63  }
0x28: {  	_ =	swait.ge [sflag:s7], $0x2780  }
0x29: {  	[sflag:s7] =	ssyncset.done $0x0  }
0x2a: {  	[sflag:s7] =	ssyncadd.s32 $0xFFFFD880  }
0x2b: {  	_ =	sfence.sel $0x180000  }
0x2c: {  	[bflag:$0x0] =	sbarrier.arrive $0xFFFF  }
0x2d: {  	p0 =	sne.s32 s1, $0x0;
	_ =	strace $0x90000047  }
0x2e: {  	s0 =	sadd.s32 @!p0 $0x100000, s0;
	[bflag:$0x2] =	sbarrier.arrive $0xFFFF  }
0x2f: {  	[sflag:s0] =	ssyncadd.tile.s32 @!p0 $0x1;
	_ =	shalt  }
.Lfunc_end2:
_tile_overlayer_lowered:
.L_overlay_start_2:
0x30: {  	(tag) =	ssettag $0x2  }
0x31: {  	s0 =	rddreg [dreg:$0x0];
	s2 =	stileid.u32  }
0x32: {  	s1 =	rddreg [dreg:$0x1];
	p0 =	sne.s32 s2, $0x0  }
0x33: {  	s3 =	rddreg [dreg:$0x2];
	[bflag:$0x3] =	sbarrier.arrive $0xFFFF;
	s2 =	simm.s32 @!p0 $0x1C01  }
0x34: {  	[timem:s3], [sflag:s2] =	dma.local @!p0 [hbm:s0], s1  }
0x35: {  	s0 =	simm.s32 @!p0 $0x1  }
0x36: {  	_ =	swait.ge @!p0 [sflag:s0], s1  }
0x37: {  	s1 =	ssub.s32 @!p0 $0x0, s1;
	[sflag:s0] =	ssyncset.done @!p0 $0x0  }
0x38: {  	[sflag:s0] =	ssyncadd.s32 @!p0 s1  }
0x39: {  	[bflag:$0x3] =	sbarrier.arrive $0xFFFF  }
0x3a: {  	_ =	shalt  }

// kernel: kernel.9.cloned.1.call-start
scs
__scs_entry_jumppad:
0x0: {  	(pc) =	sbr.rel $0x88, $3  }
0x1: {  	(tag) =	ssettag $0x0;
	lr =	simm.s32 $0x1  }
0x2: {  	[smem:$0x3F9D] =	sst lr;
	_ =	strace $0xD0000000  }
0x3: {  	_ = 	snop  }
0x4: {  	_ = 	snop  }
0x5: {  	_ = 	snop  }
0x6: {  	_ = 	snop  }
0x7: {  	_ = 	snop  }
__scs_overlays_trampoline_lowered:
0x8: {  	[smem:$0x3FAC] =	sst s0  }
0x9: {  	[smem:$0x3FAD] =	sst s1  }
0xa: {  	[smem:$0x3FAE] =	sst s2  }
0xb: {  	[smem:$0x3FAF] =	sst s3  }
0xc: {  	[smem:$0x3FB0] =	sst s4  }
0xd: {  	[smem:$0x3FB1] =	sst s5  }
0xe: {  	[smem:$0x3FB2] =	sst s6  }
0xf: {  	[smem:$0x3FB3] =	sst s7  }
0x10: {  	[smem:$0x3FB4] =	sst s8  }
0x11: {  	[smem:$0x3FB5] =	sst s9;
	s0 =	simm.s32 @!p0 $0x0  }
0x12: {  	s1 =	sld [smem:$0x3F9B];
	s0 =	simm.s32 @p0 $0x1  }
0x13: {  	[smem:$0x3FB6] =	sst s0;
	s0 =	simm.s32 @!p1 $0x0  }
0x14: {  	s2 =	sld [smem:$0x3F9A];
	s0 =	simm.s32 @p1 $0x1  }
0x15: {  	[smem:$0x3FB7] =	sst s0;
	s0 =	simm.s32 @!p2 $0x0  }
0x16: {  	s3 =	sld [smem:$0x3FDB];
	s0 =	simm.s32 @p2 $0x1  }
0x17: {  	s4 =	simm.s32 $0x1BF5;
	[smem:$0x3FB9] =	sst s0  }
0x18: {  	s0 =	sld [smem:$0x3F9C];
	_ =	swait.ge [sflag:s4], $0x0  }
0x19: {  	s7 =	sld [smem:$0x3F9D]  }
0x1a: {  	s8 =	sadd.s32 $0xFFFFE003, lr  }
0x1b: {  	s9 =	sadd.s32 $0xFFFFFEF7, lr;
	s5 =	simm.s32 $0xFFFFFFFF;
	p2 =	slt.u32 s8, $0xFFFFF086  }
0x1c: {  	p1 =	slt.u32 s9, $0xF7A;
	s5 =	simm.s32 @!p2 $0x0  }
0x1d: {  	s5 =	simm.s32 @p1 $0x1;
	p0 =	seq.s32 s7, s2  }
0x1e: {  	s7 =	smul.u32 @!p0 $0xF7A, s2;
	p2 =	seq.s32 @!p0 s5, $0x0  }
0x1f: {  	s9 =	smul.u32 $0xF7A, s1;
	s8 =	simm.s32 @!p0 $0x1BF5;
	p2 =	por !p2, p0  }
0x20: {  	[sflag:s8] =	ssyncset.s32 @!p0 $0xFFFFF086;
	s6 =	sadd.s32 @!p0 s3, s7;
	s7 =	simm.s32 @!p0 $0x108  }
0x21: {  	s3 =	sadd.s32 s3, s9;
	s6 =	sadd.s32 @!p0 $0x88, s6;
	s7 =	simm.s32 @p2 $0x1082  }
0x22: {  	[simem:s7], [sflag:s8] =	dma.local @!p0 [hbm:s6], $0xF7A  }
0x23: {  	s9 =	sor.u32 $0xD0000000, s2;
	s6 =	simm.s32 $0x108;
	_ =	swait.ge @!p0 [sflag:s8], $0x0  }
0x24: {  	s3 =	sadd.s32 $0x88, s3;
	s6 =	simm.s32 @!p1 $0x1082;
	[sflag:s4] =	ssyncset.s32 $0xFFFFF086  }
0x25: {  	[simem:s6], [sflag:s4] =	dma.local [hbm:s3], $0xF7A  }
0x26: {  	[smem:$0x3F9D] =	sst s1;
	(tag) =	ssettag s2;
	_ =	strace s9  }
0x27: {  	s1 =	sld [smem:$0x3FAD]  }
0x28: {  	s2 =	sld [smem:$0x3FAE]  }
0x29: {  	s4 =	sld [smem:$0x3FB0]  }
0x2a: {  	p0 =	seq.s32 s5, $0x0;
	s5 =	sld [smem:$0x3FB1]  }
0x2b: {  	s6 =	sld [smem:$0x3FB2]  }
0x2c: {  	s7 =	sld [smem:$0x3FB3]  }
0x2d: {  	s3 =	simm.s32 $0x108;
	s8 =	sld [smem:$0x3FB4]  }
0x2e: {  	s3 =	simm.s32 @!p0 $0x1082;
	s9 =	sld [smem:$0x3FB5]  }
0x2f: {  	lr =	sadd.s32 s0, s3;
	s0 =	sld [smem:$0x3FAC]  }
0x30: {  	s3 =	sld [smem:$0x3FAF]  }
0x31: {  	[smem:$0x3FB8] =	sst s10  }
0x32: {  	s10 =	sld [smem:$0x3FB6];
	_ =	sdelay $0x3  }
0x33: {  	p0 =	seq.s32 s10, $0x1;
	s10 =	sld [smem:$0x3FB8];
	_ =	sdelay $0x3  }
0x34: {  	[smem:$0x3FB8] =	sst s10  }
0x35: {  	s10 =	sld [smem:$0x3FB7];
	_ =	sdelay $0x3  }
0x36: {  	p1 =	seq.s32 s10, $0x1;
	s10 =	sld [smem:$0x3FB8];
	_ =	sdelay $0x3  }
0x37: {  	[smem:$0x3FB8] =	sst s10  }
0x38: {  	s10 =	sld [smem:$0x3FB9]  }
0x39: {  	_ = 	snop;
	(pc) =	sbr.ind lr, $3  }
0x3a: {  	_ = 	snop  }
0x3b: {  	_ = 	snop  }
0x3c: {  	p2 =	seq.s32 s10, $0x1;
	s10 =	sld [smem:$0x3FB8]  }
0x3d: {  	_ =	shalt  }
0x3e: {  	_ =	shalt  }
0x3f: {  	_ =	shalt  }
0x40: {  	_ =	shalt  }
0x41: {  	_ =	shalt  }
0x42: {  	_ =	shalt  }
0x43: {  	_ =	shalt  }
0x44: {  	_ =	shalt  }
0x45: {  	_ =	shalt  }
0x46: {  	_ =	shalt  }
0x47: {  	_ =	shalt  }
0x48: {  	_ =	shalt  }
0x49: {  	_ =	shalt  }
0x4a: {  	_ =	shalt  }
0x4b: {  	_ =	shalt  }
0x4c: {  	_ =	shalt  }
0x4d: {  	_ =	shalt  }
0x4e: {  	_ =	shalt  }
0x4f: {  	_ =	shalt  }
0x50: {  	_ =	shalt  }
0x51: {  	_ =	shalt  }
0x52: {  	_ =	shalt  }
0x53: {  	_ =	shalt  }
0x54: {  	_ =	shalt  }
0x55: {  	_ =	shalt  }
0x56: {  	_ =	shalt  }
0x57: {  	_ =	shalt  }
0x58: {  	_ =	shalt  }
0x59: {  	_ =	shalt  }
0x5a: {  	_ =	shalt  }
0x5b: {  	_ =	shalt  }
0x5c: {  	_ =	shalt  }
0x5d: {  	_ =	shalt  }
0x5e: {  	_ =	shalt  }
0x5f: {  	_ =	shalt  }
0x60: {  	_ =	shalt  }
0x61: {  	_ =	shalt  }
0x62: {  	_ =	shalt  }
0x63: {  	_ =	shalt  }
0x64: {  	_ =	shalt  }
0x65: {  	_ =	shalt  }
0x66: {  	_ =	shalt  }
0x67: {  	_ =	shalt  }
0x68: {  	_ =	shalt  }
0x69: {  	_ =	shalt  }
0x6a: {  	_ =	shalt  }
0x6b: {  	_ =	shalt  }
0x6c: {  	_ =	shalt  }
0x6d: {  	_ =	shalt  }
0x6e: {  	_ =	shalt  }
0x6f: {  	_ =	shalt  }
0x70: {  	_ =	shalt  }
0x71: {  	_ =	shalt  }
0x72: {  	_ =	shalt  }
0x73: {  	_ =	shalt  }
0x74: {  	_ =	shalt  }
0x75: {  	_ =	shalt  }
0x76: {  	_ =	shalt  }
0x77: {  	_ =	shalt  }
0x78: {  	_ =	shalt  }
0x79: {  	_ =	shalt  }
0x7a: {  	_ =	shalt  }
0x7b: {  	_ =	shalt  }
0x7c: {  	_ =	shalt  }
0x7d: {  	_ =	shalt  }
0x7e: {  	_ =	shalt  }
0x7f: {  	_ =	shalt  }
0x80: {  	_ =	shalt  }
0x81: {  	_ =	shalt  }
0x82: {  	_ =	shalt  }
0x83: {  	_ =	shalt  }
0x84: {  	_ =	shalt  }
0x85: {  	_ =	shalt  }
0x86: {  	_ =	shalt  }
0x87: {  	_ =	shalt  }
.Lfunc_end0:
.L_simem_size_0:
called_computation.1_lowered:
.L_overlay_start_0:
0x88: {  	s2 =	sld [smem:$0x3FD9]  }
0x89: {  	s3 =	sld [smem:$0x3FFE];
	_ =	sdelay $0x1  }
0x8a: {  	s1 =	srdreg.scid  }
0x8b: {  	s0 =	sand.u32 $0x1, s1  }
0x8c: {  	s17 =	sshll.u32 s0, $0xA;
	s2 =	sadd.s32 s3, s2  }
0x8d: {  	s2 =	sadd.s32 s2, s17  }
0x8e: {  	[smem:$0x3FC4] =	sst s2  }
0x8f: {  	_ = 	snop  }
0x90: {  	s2 =	sld [smem:$0x3FD0];
	(tm) =	ssettm $0x1  }
0x91: {  	s18 =	sld [smem:$0x3FFB];
	_ =	sdelay $0x3  }
0x92: {  	_ =	strace s18  }
0x93: {  	s3 =	sld [smem:$0x3FFC];
	_ =	sdelay $0x3  }
0x94: {  	_ =	strace s3  }
0x95: {  	s3 =	sld [smem:$0x3FFD];
	_ =	sdelay $0x3  }
0x96: {  	_ =	strace s3  }
0x97: {  	_ =	strace $0x8FFFFFFF  }
0x98: {  	s19 =	sld [smem:$0x3FDB];
	_ =	sdelay $0x1  }
0x99: {  	s4 =	simm.s32 $_scs_section_size  }
0x9a: {  	s5 =	simm.s32 $_size__tile_overlayer_lowered;
	s6 =	simm.s32 $_tile_overlayer_lowered  }
0x9b: {  	s22 =	simm.s32 $0x1BFF;
	s21 =	sshll.u32 s6, $0x1;
	s3 =	sadd.s32 s4, s19  }
0x9c: {  	s7 =	simm.s32 $0x0;
	s20 =	sshll.u32 s5, $0x1;
	s5 =	sadd.s32 s21, s3  }
0x9d: {  	[timem:s7], [sflag:s22] =	dma.local [hbm:s5], s20  }
0x9e: {  	_ =	swait.ge [sflag:s22], s20  }
0x9f: {  	s4 =	ssub.s32 $0x0, s20;
	[sflag:s22] =	ssyncset.done $0x0  }
0xa0: {  	[sflag:s22] =	ssyncadd.s32 s4;
	_ =	sdelay $0x1  }
0xa1: {  	s23 =	simm.s32 $0x1B8B  }
0xa2: {  	_ =	swait.ge [sflag:s23], $0x1  }
0xa3: {  	[sflag:s23] =	ssyncset.done $0x0  }
0xa4: {  	s25 =	simm.s32 $0x1B8E;
	s24 =	sld [smem:$0x3FFE];
	[sflag:s23] =	ssyncadd.s32 $0xFFFFFFFF  }
0xa5: {  	s26 =	simm.s32 $execute0_lowered;
	[smem:$0x3FD2] =	sst s25  }
0xa6: {  	s5 =	sshll.u32 s26, $0x1;
	_ =	strace $0x80000049;
	[dreg:$0x1] =	wrdreg $0xFFFFFFFF  }
0xa7: {  	s28 =	simm.s32 $_size_execute0_lowered;
	s3 =	sadd.s32 s3, s5;
	[dreg:$0x0] =	wrdreg $0x0  }
0xa8: {  	s5 =	sshll.u32 s28, $0x1;
	[dreg:$0x2] =	wrdreg s3  }
0xa9: {  	[dreg:$0x3] =	wrdreg s5  }
0xaa: {  	[dreg:$0x4] =	wrdreg $0xC0  }
0xab: {  	_ =	task [dreg:s7], $0x5FFFF  }
0xac: {  	[dreg:$0x1] =	wrdreg $0xFFFFFFFF  }
0xad: {  	[dreg:$0x0] =	wrdreg $0x60  }
0xae: {  	[dreg:$0x2] =	wrdreg s2  }
0xaf: {  	[dreg:$0x3] =	wrdreg s24  }
0xb0: {  	[dreg:$0x4] =	wrdreg $0x94000  }
0xb1: {  	[dreg:$0x5] =	wrdreg $0x9  }
0xb2: {  	_ =	task.clear_ibuf [dreg:s7], $0x6FFFF;
	_ =	strace $0x90000049  }
0xb3: {  	s29 =	simm.s32 $0x9;
	_ =	strace $0x8000004B  }
0xb4: {  	_ =	swait.ge [sflag:s29], $0x1  }
0xb5: {  	[sflag:s29] =	ssyncadd.s32 $0xFFFFFFFF  }
0xb6: {  	_ =	strace $0x9000004B  }
0xb7: {  	_ =	sfence  }
0xb8: {  	s30 =	sld [smem:$0x0];
	_ =	sdelay $0x2  }
0xb9: {  	s31 =	sshll.u32 s1, $0xD;
	s1 =	sshrl.u32 s1, $0x2  }
0xba: {  	s3 =	sand.u32 $0x4000, s31;
	s1 =	sadd.s32 s1, s30  }
0xbb: {  	s0 =	sor.u32 s3, s0;
	s1 =	sshll.u32 s1, $0x11  }
0xbc: {  	s0 =	sor.u32 s1, s0  }
0xbd: {  	s0 =	sadd.s32 $0x8F2B, s0  }
0xbe: {  	[sflag:s0] =	ssyncadd.remote.s32 $0x1  }
0xbf: {  	_ =	sfence.sel $0xFFFF  }
0xc0: {  	[dreg:$0x0] =	wrdreg $0xFFFFFFFF;
	(pc) =	sbr.abs _section_cstart, $3  }
0xc1: {  	[dreg:$0x1] =	wrdreg $0xFFFFFFFF  }
0xc2: {  	_ =	task.clear_ibuf [dreg:s7], $0x2FFFF;
	_ =	strace $0x9FFFFFFF  }
0xc3: {  	(tm) =	ssettm $0x7FFFFFFF  }
tec
execute0_lowered:
.L_overlay_start_1:
0x0: {  	(tag) =	ssettag $0x1  }
0x1: {  	s1 =	rddreg [dreg:$0x0];
	s0 =	srdreg.scid  }
0x2: {  	s2 =	rddreg [dreg:$0x1];
	s10 =	stileid.u32  }
0x3: {  	s3 =	rddreg [dreg:$0x2];
	s4 =	simm.s32 $0x0;
	s14 =	simm.s32 $0x1400  }
0x4: {  	s15 =	simm.s32 $0x3;
	s16 =	simm.s32 $0xA00;
	s28 =	simm.s32 $0x780  }
0x5: {  	s29 =	simm.s32 $0x1100;
	s30 =	simm.s32 $0x800;
	s6 =	smul.u32 $0x13C00, s10  }
0x6: {  	s31 =	simm.s32 $0x1180;
	s0 =	sand.u32 $0x1, s0;
	s17 =	smul.u32 $0x4F000, s10  }
0x7: {  	[smem:$0x7FF] =	sst s4;
	s7 =	sadd.s32 $0x1C00, s2;
	s9 =	smul.u32 $0x5000, s10  }
0x8: {  	s10 =	sshll.u32 s10, $0x1;
	s5 =	smul.u32 $0x13C000, s0;
	_ =	strace $0x8000004A  }
0x9: {  	s18 =	ssub.s32 $0x2, s0;
	s19 =	smul.u32 $0x2800, s0;
	s0 =	sor.u32 s0, s10  }
0xa: {  	s8 =	sshrl.u32 s18, $0x1;
	p0 =	seq.s32 s0, $0x1F;
	s0 =	simm.s32 $0x0  }
0xb: {  	s5 =	sadd.s32 s6, s5;
	s6 =	sshrl.u32 s17, $0x2;
	s17 =	simm.s32 $0x80  }
0xc: {  	s5 =	sshrl.u32 s5, $0x3;
	s13 =	sadd.s32 s6, s3;
	s6 =	sadd.s32 s19, s9  }
0xd: {  	s19 =	simm.s32 $0x1;
	s9 =	simm.s32 $0x1300;
	s2 =	sadd.s32 s5, s2  }
0xe: {  	s5 =	ssub.s32 s18, s8;
	s20 =	sadd.s32 $0x4000, s13;
	[dreg:$0x4] =	wrdreg s13  }
0xf: {  	s21 =	sadd.s32 $0x8000, s13;
	s22 =	sadd.s32 $0xC000, s13;
	[dreg:$0x5] =	wrdreg s20  }
0x10: {  	s23 =	sadd.s32 $0x10000, s13;
	s24 =	sadd.s32 $0x4E200, s6;
	[dreg:$0x6] =	wrdreg s21  }
0x11: {  	s25 =	sshrl.u32 s6, $0x3;
	s18 =	simm.s32 $0x5400;
	[dreg:$0x7] =	wrdreg s22  }
0x12: {  	s6 =	simm.s32 $0x900;
	s8 =	simm.s32 $0x980;
	[dreg:$0x8] =	wrdreg s23  }
0x13: {  	s2 =	sadd.s32 $0x15600, s2;
	s5 =	smax.u32 s5, $0x1;
	s26 =	sadd.s32 s25, s7  }
0x14: {  	s21 =	simm.s32 $0x2;
	s20 =	simm.s32 $0x600;
	[dreg:$0x9] =	wrdreg s2  }
0x15: {  	s22 =	simm.s32 $0xF80;
	s23 =	simm.s32 $0x680;
	[dreg:$0xa] =	wrdreg s5  }
0x16: {  	s25 =	simm.s32 $0x700;
	s2 =	sshrl.u32 s24, $0x3;
	[dreg:$0xc] =	wrdreg s26  }
0x17: {  	s24 =	simm.s32 $0x1000;
	s26 =	simm.s32 $0x1080;
	s2 =	sadd.s32 s2, s7  }
0x18: {  	v0 =	vimm.f32 $0.0e+00;
	s7 =	simm.s32 $0x1280;
	[dreg:$0xb] =	wrdreg s2;
	s2 =	simm.s32 $0x880  }
.LBB2_1:
0x19: {  	s10 =	sand.u32 $0xFE00, s4  }
0x1a: {  	[dreg:$0xd] =	wrdreg s0;
	s11 =	sand.u32 $0x70, s4;
	s12 =	sshrl.u32 s10, $0x2  }
0x1b: {  	s10 =	simm.s32 $0x40;
	s12 =	sor.u32 s11, s12;
	s11 =	simm.s32 $0x0  }
.LBB2_2:
0x1c: {  	p1 =	sne.s32 s10, $0xFFC0  }
0x1d: {  	[tilespmem:s12+$0x1400] =	vst v0;
	s11 =	sadd.s32 $0x10, s11;
	s12 =	smov.u32 s10;
	s10 =	sadd.s32 $0x40, s10  }
.Ltmp0:
0x1e: {  	(pc) =	sbr.rel @p1 .LBB2_2-.Ltmp0, $4  }
0x1f: {  	_ = 	snop  }
0x20: {  	s12 =	sand.u32 $0xFE00, s12  }
0x21: {  	s13 =	sand.u32 $0x70, s11;
	s12 =	sshrl.u32 s12, $0x2  }
0x22: {  	s12 =	sor.u32 s13, s12  }
0x23: {  	[tilespmem:s12+$0x1400] =	vst v0;
	s5 =	rddreg [dreg:$0x4]  }
0x24: {  	[spmem:s5] =	stream.linear.scatter [tilespmem:s14], [sflag:$0x3], $0x4000, $0x38;
	[tilespmem:$0x1D000] =	vst v63  }
0x25: {  	_ =	swait.ge [sflag:s15], $0x4000  }
0x26: {  	[sflag:s15] =	ssyncset.done $0x0  }
0x27: {  	s10 =	rddreg [dreg:$0x5];
	[sflag:s15] =	ssyncadd.s32 $0xFFFFC000  }
0x28: {  	[spmem:s10] =	stream.linear.scatter [tilespmem:s14], [sflag:$0x3], $0x4000, $0x38;
	[tilespmem:$0x1D000] =	vst v63  }
0x29: {  	_ =	swait.ge [sflag:s15], $0x4000  }
0x2a: {  	[sflag:s15] =	ssyncset.done $0x0  }
0x2b: {  	s11 =	rddreg [dreg:$0x6];
	[sflag:s15] =	ssyncadd.s32 $0xFFFFC000  }
0x2c: {  	[spmem:s11] =	stream.linear.scatter [tilespmem:s14], [sflag:$0x3], $0x4000, $0x38;
	[tilespmem:$0x1D000] =	vst v63  }
0x2d: {  	_ =	swait.ge [sflag:s15], $0x4000  }
0x2e: {  	[sflag:s15] =	ssyncset.done $0x0  }
0x2f: {  	s12 =	rddreg [dreg:$0x7];
	[sflag:s15] =	ssyncadd.s32 $0xFFFFC000  }
0x30: {  	[spmem:s12] =	stream.linear.scatter [tilespmem:s14], [sflag:$0x3], $0x4000, $0x38;
	[tilespmem:$0x1D000] =	vst v63  }
0x31: {  	_ =	swait.ge [sflag:s15], $0x4000  }
0x32: {  	[sflag:s15] =	ssyncset.done $0x0  }
0x33: {  	s13 =	rddreg [dreg:$0x8];
	[sflag:s15] =	ssyncadd.s32 $0xFFFFC000  }
0x34: {  	[spmem:s13] =	stream.linear.scatter [tilespmem:s14], [sflag:$0x3], $0x3C00, $0x38;
	[tilespmem:$0x1D000] =	vst v63  }
0x35: {  	_ =	swait.ge [sflag:s15], $0x3C00  }
0x36: {  	[sflag:s15] =	ssyncset.done $0x0  }
0x37: {  	[sflag:s15] =	ssyncadd.s32 $0xFFFFC400  }
0x38: {  	[bflag:$0x0] =	sbarrier.arrive $0xFFFF  }
0x39: {  	s0 =	simm.s32 $0x1200;
	s10 =	rddreg [dreg:$0xc]  }
0x3a: {  	s12 =	simm.s32 $0x0;
	s13 =	simm.s32 $0x1380;
	s11 =	rddreg [dreg:$0xb]  }
.LBB2_4:
0x3b: {  	[tilespmem:s4], [sflag:$0x3] =	stream.linear.gather [hbm4b:s10+s4], $0xA00, $0x38;
	[tilespmem:$0x1D000] =	vst v63  }
0x3c: {  	_ =	swait.ge [sflag:s15], $0xA00  }
0x3d: {  	[sflag:s15] =	ssyncset.done $0x0  }
0x3e: {  	[sflag:s15] =	ssyncadd.s32 $0xFFFFF600  }
0x3f: {  	[tilespmem:s16], [sflag:$0x3] =	stream.linear.gather [hbm4b:s11+s4], $0xA00, $0x38;
	[tilespmem:$0x1D000] =	vst v63  }
0x40: {  	_ =	swait.ge [sflag:s15], $0xA00  }
0x41: {  	[sflag:s15] =	ssyncset.done $0x0  }
0x42: {  	[sflag:s15] =	ssyncadd.s32 $0xFFFFF600  }
0x43: {  	[tilespmem:s14], [sflag:$0x1] =	stream.indirect.gather [hbm4b:s1+s17], $0x80, s4, s17, $0xb8;
	[tilespmem:$0x1D000] =	vst v63  }
0x44: {  	_ = 	snop  }
0x45: {  	[tilespmem:s18], [sflag:$0x2] =	stream.indirect.gather [hbm4b:s1+s17], $0x80, s17, s17, $0xb8;
	[tilespmem:$0x1D000] =	vst v63  }
0x46: {  	_ =	swait.ge [sflag:s19], $0x4000  }
0x47: {  	[sflag:s19] =	ssyncset.done $0x0  }
0x48: {  	[sflag:s19] =	ssyncadd.s32 $0xFFFFC000  }
0x49: {  	[spmem:s3] =	stream.indirect.scatter.add.f32 [tilespmem:s14], [sflag:$0x3], $0x80, s16, s17, $0xb8;
	[tilespmem:$0x1D000] =	vst v63  }
0x4a: {  	_ =	swait.ge [sflag:s15], $0x4000  }
0x4b: {  	[sflag:s15] =	ssyncset.done $0x0  }
0x4c: {  	s5 =	simm.s32 $0x100;
	[sflag:s15] =	ssyncadd.s32 $0xFFFFC000  }
0x4d: {  	[tilespmem:s14], [sflag:$0x1] =	stream.indirect.gather [hbm4b:s1+s17], $0x80, s5, s17, $0xb8;
	[tilespmem:$0x1D000] =	vst v63  }
0x4e: {  	_ =	swait.ge [sflag:s21], $0x4000  }
0x4f: {  	[sflag:s21] =	ssyncset.done $0x0  }
0x50: {  	s5 =	simm.s32 $0xA80;
	[sflag:s21] =	ssyncadd.s32 $0xFFFFC000  }
0x51: {  	[spmem:s3] =	stream.indirect.scatter.add.f32 [tilespmem:s18], [sflag:$0x3], $0x80, s5, s17, $0xb8;
	[tilespmem:$0x1D000] =	vst v63  }
0x52: {  	_ =	swait.ge [sflag:s15], $0x4000  }
0x53: {  	[sflag:s15] =	ssyncset.done $0x0  }
0x54: {  	s5 =	simm.s32 $0x180;
	[sflag:s15] =	ssyncadd.s32 $0xFFFFC000  }
0x55: {  	[tilespmem:s18], [sflag:$0x2] =	stream.indirect.gather [hbm4b:s1+s17], $0x80, s5, s17, $0xb8;
	[tilespmem:$0x1D000] =	vst v63  }
0x56: {  	_ =	swait.ge [sflag:s19], $0x4000  }
0x57: {  	[sflag:s19] =	ssyncset.done $0x0  }
0x58: {  	s5 =	simm.s32 $0xB00;
	[sflag:s19] =	ssyncadd.s32 $0xFFFFC000  }
0x59: {  	[spmem:s3] =	stream.indirect.scatter.add.f32 [tilespmem:s14], [sflag:$0x3], $0x80, s5, s17, $0xb8;
	[tilespmem:$0x1D000] =	vst v63  }
0x5a: {  	_ =	swait.ge [sflag:s15], $0x4000  }
0x5b: {  	[sflag:s15] =	ssyncset.done $0x0  }
0x5c: {  	s5 =	simm.s32 $0x200;
	[sflag:s15] =	ssyncadd.s32 $0xFFFFC000  }
0x5d: {  	[tilespmem:s14], [sflag:$0x1] =	stream.indirect.gather [hbm4b:s1+s17], $0x80, s5, s17, $0xb8;
	[tilespmem:$0x1D000] =	vst v63  }
0x5e: {  	_ =	swait.ge [sflag:s21], $0x4000  }
0x5f: {  	[sflag:s21] =	ssyncset.done $0x0  }
0x60: {  	s5 =	simm.s32 $0xB80;
	[sflag:s21] =	ssyncadd.s32 $0xFFFFC000  }
0x61: {  	[spmem:s3] =	stream.indirect.scatter.add.f32 [tilespmem:s18], [sflag:$0x3], $0x80, s5, s17, $0xb8;
	[tilespmem:$0x1D000] =	vst v63  }
0x62: {  	_ =	swait.ge [sflag:s15], $0x4000  }
0x63: {  	[sflag:s15] =	ssyncset.done $0x0  }
0x64: {  	s5 =	simm.s32 $0x280;
	[sflag:s15] =	ssyncadd.s32 $0xFFFFC000  }
0x65: {  	[tilespmem:s18], [sflag:$0x2] =	stream.indirect.gather [hbm4b:s1+s17], $0x80, s5, s17, $0xb8;
	[tilespmem:$0x1D000] =	vst v63  }
0x66: {  	_ =	swait.ge [sflag:s19], $0x4000  }
0x67: {  	[sflag:s19] =	ssyncset.done $0x0  }
0x68: {  	s5 =	simm.s32 $0xC00;
	[sflag:s19] =	ssyncadd.s32 $0xFFFFC000  }
0x69: {  	[spmem:s3] =	stream.indirect.scatter.add.f32 [tilespmem:s14], [sflag:$0x3], $0x80, s5, s17, $0xb8;
	[tilespmem:$0x1D000] =	vst v63  }
0x6a: {  	_ =	swait.ge [sflag:s15], $0x4000  }
0x6b: {  	[sflag:s15] =	ssyncset.done $0x0  }
0x6c: {  	s5 =	simm.s32 $0x300;
	[sflag:s15] =	ssyncadd.s32 $0xFFFFC000  }
0x6d: {  	[tilespmem:s14], [sflag:$0x1] =	stream.indirect.gather [hbm4b:s1+s17], $0x80, s5, s17, $0xb8;
	[tilespmem:$0x1D000] =	vst v63  }
0x6e: {  	_ =	swait.ge [sflag:s21], $0x4000  }
0x6f: {  	[sflag:s21] =	ssyncset.done $0x0  }
0x70: {  	s5 =	simm.s32 $0xC80;
	[sflag:s21] =	ssyncadd.s32 $0xFFFFC000  }
0x71: {  	[spmem:s3] =	stream.indirect.scatter.add.f32 [tilespmem:s18], [sflag:$0x3], $0x80, s5, s17, $0xb8;
	[tilespmem:$0x1D000] =	vst v63  }
0x72: {  	_ =	swait.ge [sflag:s15], $0x4000  }
0x73: {  	[sflag:s15] =	ssyncset.done $0x0  }
0x74: {  	s5 =	simm.s32 $0x380;
	[sflag:s15] =	ssyncadd.s32 $0xFFFFC000  }
0x75: {  	[tilespmem:s18], [sflag:$0x2] =	stream.indirect.gather [hbm4b:s1+s17], $0x80, s5, s17, $0xb8;
	[tilespmem:$0x1D000] =	vst v63  }
0x76: {  	_ =	swait.ge [sflag:s19], $0x4000  }
0x77: {  	[sflag:s19] =	ssyncset.done $0x0  }
0x78: {  	s5 =	simm.s32 $0xD00;
	[sflag:s19] =	ssyncadd.s32 $0xFFFFC000  }
0x79: {  	[spmem:s3] =	stream.indirect.scatter.add.f32 [tilespmem:s14], [sflag:$0x3], $0x80, s5, s17, $0xb8;
	[tilespmem:$0x1D000] =	vst v63  }
0x7a: {  	_ =	swait.ge [sflag:s15], $0x4000  }
0x7b: {  	[sflag:s15] =	ssyncset.done $0x0  }
0x7c: {  	s5 =	simm.s32 $0x400;
	[sflag:s15] =	ssyncadd.s32 $0xFFFFC000  }
0x7d: {  	[tilespmem:s14], [sflag:$0x1] =	stream.indirect.gather [hbm4b:s1+s17], $0x80, s5, s17, $0xb8;
	[tilespmem:$0x1D000] =	vst v63  }
0x7e: {  	_ =	swait.ge [sflag:s21], $0x4000  }
0x7f: {  	[sflag:s21] =	ssyncset.done $0x0  }
0x80: {  	s5 =	simm.s32 $0xD80;
	[sflag:s21] =	ssyncadd.s32 $0xFFFFC000  }
0x81: {  	[spmem:s3] =	stream.indirect.scatter.add.f32 [tilespmem:s18], [sflag:$0x3], $0x80, s5, s17, $0xb8;
	[tilespmem:$0x1D000] =	vst v63  }
0x82: {  	_ =	swait.ge [sflag:s15], $0x4000  }
0x83: {  	[sflag:s15] =	ssyncset.done $0x0  }
0x84: {  	s5 =	simm.s32 $0x480;
	[sflag:s15] =	ssyncadd.s32 $0xFFFFC000  }
0x85: {  	[tilespmem:s18], [sflag:$0x2] =	stream.indirect.gather [hbm4b:s1+s17], $0x80, s5, s17, $0xb8;
	[tilespmem:$0x1D000] =	vst v63  }
0x86: {  	_ =	swait.ge [sflag:s19], $0x4000  }
0x87: {  	[sflag:s19] =	ssyncset.done $0x0  }
0x88: {  	s5 =	simm.s32 $0xE00;
	[sflag:s19] =	ssyncadd.s32 $0xFFFFC000  }
0x89: {  	[spmem:s3] =	stream.indirect.scatter.add.f32 [tilespmem:s14], [sflag:$0x3], $0x80, s5, s17, $0xb8;
	[tilespmem:$0x1D000] =	vst v63  }
0x8a: {  	_ =	swait.ge [sflag:s15], $0x4000  }
0x8b: {  	[sflag:s15] =	ssyncset.done $0x0  }
0x8c: {  	s5 =	simm.s32 $0x500;
	[sflag:s15] =	ssyncadd.s32 $0xFFFFC000  }
0x8d: {  	[tilespmem:s14], [sflag:$0x1] =	stream.indirect.gather [hbm4b:s1+s17], $0x80, s5, s17, $0xb8;
	[tilespmem:$0x1D000] =	vst v63  }
0x8e: {  	_ =	swait.ge [sflag:s21], $0x4000  }
0x8f: {  	[sflag:s21] =	ssyncset.done $0x0  }
0x90: {  	s5 =	simm.s32 $0xE80;
	[sflag:s21] =	ssyncadd.s32 $0xFFFFC000  }
0x91: {  	[spmem:s3] =	stream.indirect.scatter.add.f32 [tilespmem:s18], [sflag:$0x3], $0x80, s5, s17, $0xb8;
	[tilespmem:$0x1D000] =	vst v63  }
0x92: {  	_ =	swait.ge [sflag:s15], $0x4000  }
0x93: {  	[sflag:s15] =	ssyncset.done $0x0  }
0x94: {  	s5 =	simm.s32 $0x580;
	[sflag:s15] =	ssyncadd.s32 $0xFFFFC000  }
0x95: {  	[tilespmem:s18], [sflag:$0x2] =	stream.indirect.gather [hbm4b:s1+s17], $0x80, s5, s17, $0xb8;
	[tilespmem:$0x1D000] =	vst v63  }
0x96: {  	_ =	swait.ge [sflag:s19], $0x4000  }
0x97: {  	[sflag:s19] =	ssyncset.done $0x0  }
0x98: {  	s5 =	simm.s32 $0xF00;
	[sflag:s19] =	ssyncadd.s32 $0xFFFFC000  }
0x99: {  	[spmem:s3] =	stream.indirect.scatter.add.f32 [tilespmem:s14], [sflag:$0x3], $0x80, s5, s17, $0xb8;
	[tilespmem:$0x1D000] =	vst v63  }
0x9a: {  	_ =	swait.ge [sflag:s15], $0x4000  }
0x9b: {  	[sflag:s15] =	ssyncset.done $0x0  }
0x9c: {  	[sflag:s15] =	ssyncadd.s32 $0xFFFFC000  }
0x9d: {  	[tilespmem:s14], [sflag:$0x1] =	stream.indirect.gather [hbm4b:s1+s17], $0x80, s20, s17, $0xb8;
	[tilespmem:$0x1D000] =	vst v63  }
0x9e: {  	_ =	swait.ge [sflag:s21], $0x4000  }
0x9f: {  	[sflag:s21] =	ssyncset.done $0x0  }
0xa0: {  	[sflag:s21] =	ssyncadd.s32 $0xFFFFC000  }
0xa1: {  	[spmem:s3] =	stream.indirect.scatter.add.f32 [tilespmem:s18], [sflag:$0x3], $0x80, s22, s17, $0xb8;
	[tilespmem:$0x1D000] =	vst v63  }
0xa2: {  	_ =	swait.ge [sflag:s15], $0x4000  }
0xa3: {  	[sflag:s15] =	ssyncset.done $0x0  }
0xa4: {  	[sflag:s15] =	ssyncadd.s32 $0xFFFFC000  }
0xa5: {  	[tilespmem:s18], [sflag:$0x2] =	stream.indirect.gather [hbm4b:s1+s17], $0x80, s23, s17, $0xb8;
	[tilespmem:$0x1D000] =	vst v63  }
0xa6: {  	_ =	swait.ge [sflag:s19], $0x4000  }
0xa7: {  	[sflag:s19] =	ssyncset.done $0x0  }
0xa8: {  	[sflag:s19] =	ssyncadd.s32 $0xFFFFC000  }
0xa9: {  	[spmem:s3] =	stream.indirect.scatter.add.f32 [tilespmem:s14], [sflag:$0x3], $0x80, s24, s17, $0xb8;
	[tilespmem:$0x1D000] =	vst v63  }
0xaa: {  	_ =	swait.ge [sflag:s15], $0x4000  }
0xab: {  	[sflag:s15] =	ssyncset.done $0x0  }
0xac: {  	[sflag:s15] =	ssyncadd.s32 $0xFFFFC000  }
0xad: {  	[tilespmem:s14], [sflag:$0x1] =	stream.indirect.gather [hbm4b:s1+s17], $0x80, s25, s17, $0xb8;
	[tilespmem:$0x1D000] =	vst v63  }
0xae: {  	_ =	swait.ge [sflag:s21], $0x4000  }
0xaf: {  	[sflag:s21] =	ssyncset.done $0x0  }
0xb0: {  	[sflag:s21] =	ssyncadd.s32 $0xFFFFC000  }
0xb1: {  	[spmem:s3] =	stream.indirect.scatter.add.f32 [tilespmem:s18], [sflag:$0x3], $0x80, s26, s17, $0xb8;
	[tilespmem:$0x1D000] =	vst v63  }
0xb2: {  	_ =	swait.ge [sflag:s15], $0x4000  }
0xb3: {  	[sflag:s15] =	ssyncset.done $0x0  }
0xb4: {  	[sflag:s15] =	ssyncadd.s32 $0xFFFFC000  }
0xb5: {  	[tilespmem:s18], [sflag:$0x2] =	stream.indirect.gather [hbm4b:s1+s17], $0x80, s28, s17, $0xb8;
	[tilespmem:$0x1D000] =	vst v63  }
0xb6: {  	_ =	swait.ge [sflag:s19], $0x4000  }
0xb7: {  	[sflag:s19] =	ssyncset.done $0x0  }
0xb8: {  	[sflag:s19] =	ssyncadd.s32 $0xFFFFC000  }
0xb9: {  	[spmem:s3] =	stream.indirect.scatter.add.f32 [tilespmem:s14], [sflag:$0x3], $0x80, s29, s17, $0xb8;
	[tilespmem:$0x1D000] =	vst v63  }
0xba: {  	_ =	swait.ge [sflag:s15], $0x4000  }
0xbb: {  	[sflag:s15] =	ssyncset.done $0x0  }
0xbc: {  	[sflag:s15] =	ssyncadd.s32 $0xFFFFC000  }
0xbd: {  	[tilespmem:s14], [sflag:$0x1] =	stream.indirect.gather [hbm4b:s1+s17], $0x80, s30, s17, $0xb8;
	[tilespmem:$0x1D000] =	vst v63  }
0xbe: {  	_ =	swait.ge [sflag:s21], $0x4000  }
0xbf: {  	[sflag:s21] =	ssyncset.done $0x0  }
0xc0: {  	[sflag:s21] =	ssyncadd.s32 $0xFFFFC000  }
0xc1: {  	[spmem:s3] =	stream.indirect.scatter.add.f32 [tilespmem:s18], [sflag:$0x3], $0x80, s31, s17, $0xb8;
	[tilespmem:$0x1D000] =	vst v63  }
0xc2: {  	_ =	swait.ge [sflag:s15], $0x4000  }
0xc3: {  	[sflag:s15] =	ssyncset.done $0x0  }
0xc4: {  	[sflag:s15] =	ssyncadd.s32 $0xFFFFC000  }
0xc5: {  	[tilespmem:s18], [sflag:$0x2] =	stream.indirect.gather [hbm4b:s1+s17], $0x80, s2, s17, $0xb8;
	[tilespmem:$0x1D000] =	vst v63  }
0xc6: {  	_ =	swait.ge [sflag:s19], $0x4000  }
0xc7: {  	[sflag:s19] =	ssyncset.done $0x0  }
0xc8: {  	[sflag:s19] =	ssyncadd.s32 $0xFFFFC000  }
0xc9: {  	[spmem:s3] =	stream.indirect.scatter.add.f32 [tilespmem:s14], [sflag:$0x3], $0x80, s0, s17, $0xb8;
	[tilespmem:$0x1D000] =	vst v63  }
0xca: {  	_ =	swait.ge [sflag:s15], $0x4000  }
0xcb: {  	[sflag:s15] =	ssyncset.done $0x0  }
0xcc: {  	[sflag:s15] =	ssyncadd.s32 $0xFFFFC000  }
0xcd: {  	[tilespmem:s14], [sflag:$0x1] =	stream.indirect.gather [hbm4b:s1+s17], $0x80, s6, s17, $0xb8;
	[tilespmem:$0x1D000] =	vst v63  }
0xce: {  	_ =	swait.ge [sflag:s21], $0x4000  }
0xcf: {  	[sflag:s21] =	ssyncset.done $0x0  }
0xd0: {  	[sflag:s21] =	ssyncadd.s32 $0xFFFFC000  }
0xd1: {  	[spmem:s3] =	stream.indirect.scatter.add.f32 [tilespmem:s18], [sflag:$0x3], $0x80, s7, s17, $0xb8;
	[tilespmem:$0x1D000] =	vst v63  }
0xd2: {  	_ =	swait.ge [sflag:s15], $0x4000  }
0xd3: {  	[sflag:s15] =	ssyncset.done $0x0  }
0xd4: {  	[sflag:s15] =	ssyncadd.s32 $0xFFFFC000  }
0xd5: {  	[tilespmem:s18], [sflag:$0x2] =	stream.indirect.gather [hbm4b:s1+s17], $0x80, s8, s17, $0xb8;
	[tilespmem:$0x1D000] =	vst v63  }
0xd6: {  	_ =	swait.ge [sflag:s19], $0x4000  }
0xd7: {  	[sflag:s19] =	ssyncset.done $0x0  }
0xd8: {  	[sflag:s19] =	ssyncadd.s32 $0xFFFFC000  }
0xd9: {  	[spmem:s3] =	stream.indirect.scatter.add.f32 [tilespmem:s14], [sflag:$0x3], $0x80, s9, s17, $0xb8;
	[tilespmem:$0x1D000] =	vst v63  }
0xda: {  	_ =	swait.ge [sflag:s15], $0x4000  }
0xdb: {  	[sflag:s15] =	ssyncset.done $0x0  }
0xdc: {  	[sflag:s15] =	ssyncadd.s32 $0xFFFFC000  }
0xdd: {  	p1 =	slt.u32 @!p0 s12, $0x3;
	_ =	swait.ge [sflag:s21], $0x4000  }
0xde: {  	p1 =	por p0, !p1;
	[sflag:s21] =	ssyncset.done $0x0  }
.Ltmp1:
0xdf: {  	[sflag:s21] =	ssyncadd.s32 $0xFFFFC000;
	(pc) =	sbr.rel @!p1 .LBB2_4-.Ltmp1, $4  }
0xe0: {  	[spmem:s3] =	stream.indirect.scatter.add.f32 [tilespmem:s18], [sflag:$0x3], $0x80, s13, s17, $0xb8;
	[tilespmem:$0x1D000] =	vst v63  }
0xe1: {  	_ =	swait.ge [sflag:s15], $0x4000  }
0xe2: {  	s12 =	sadd.s32 $0x1, s12;
	[sflag:s15] =	ssyncset.done $0x0  }
0xe3: {  	s10 =	sadd.s32 $0x140, s10;
	s11 =	sadd.s32 $0x140, s11;
	[sflag:s15] =	ssyncadd.s32 $0xFFFFC000  }
0xe4: {  	s10 =	stileid.u32;
	[bflag:$0x0] =	sbarrier.arrive $0xFFFF  }
0xe5: {  	s10 =	sshll.u32 s10, $0x6;
	s13 =	rddreg [dreg:$0x4]  }
0xe6: {  	s12 =	rddreg [dreg:$0x9];
	s10 =	sor.u32 $0x1C03, s10;
	s11 =	sshrl.u32 s13, $0x3  }
0xe7: {  	[hbm:s12], [sflag:s10] =	dma.local [spmem:s11], $0x2780  }
0xe8: {  	_ =	swait.ge [sflag:s15], $0x2780  }
0xe9: {  	s0 =	rddreg [dreg:$0xd]  }
0xea: {  	s13 =	rddreg [dreg:$0xa];
	s0 =	sadd.s32 $0x1, s0  }
0xeb: {  	p1 =	sne.s32 s0, s13  }
.Ltmp2:
0xec: {  	_ = 	snop;
	(pc) =	sbr.rel @p1 .LBB2_1-.Ltmp2, $3  }
0xed: {  	_ =	sdelay $0x1  }
0xee: {  	[sflag:s15] =	ssyncset.done $0x0  }
0xef: {  	[sflag:s15] =	ssyncadd.s32 $0xFFFFD880  }
0xf0: {  	_ =	sfence.sel $0x180000  }
0xf1: {  	[bflag:$0x0] =	sbarrier.arrive $0xFFFF  }
0xf2: {  	_ =	strace $0x9000004A  }
0xf3: {  	s0 =	stileid.u32;
	[bflag:$0x2] =	sbarrier.arrive $0xFFFF  }
0xf4: {  	p0 =	sne.s32 s0, $0x0;
	s0 =	rddreg [dreg:$0x3]  }
0xf5: {  	s0 =	sadd.s32 @!p0 $0x100000, s0  }
0xf6: {  	[sflag:s0] =	ssyncadd.tile.s32 @!p0 $0x1;
	_ =	shalt  }
.Lfunc_end2:
_tile_overlayer_lowered:
.L_overlay_start_2:
0xf7: {  	(tag) =	ssettag $0x2  }
0xf8: {  	s0 =	rddreg [dreg:$0x0];
	s2 =	stileid.u32  }
0xf9: {  	s1 =	rddreg [dreg:$0x1];
	p0 =	sne.s32 s2, $0x0  }
0xfa: {  	s3 =	rddreg [dreg:$0x2];
	[bflag:$0x3] =	sbarrier.arrive $0xFFFF;
	s2 =	simm.s32 @!p0 $0x1C03  }
0xfb: {  	[timem:s3], [sflag:s2] =	dma.local @!p0 [hbm:s0], s1  }
0xfc: {  	s0 =	simm.s32 @!p0 $0x3  }
0xfd: {  	_ =	swait.ge @!p0 [sflag:s0], s1  }
0xfe: {  	s1 =	ssub.s32 @!p0 $0x0, s1;
	[sflag:s0] =	ssyncset.done @!p0 $0x0  }
0xff: {  	[sflag:s0] =	ssyncadd.s32 @!p0 s1  }
0x100: {  	[bflag:$0x3] =	sbarrier.arrive $0xFFFF  }
0x101: {  	_ =	shalt  }

</sc_bundles>
